<compile_context>
chip_gen: v7x
topology: tpu7x:2x2x1
jax: 0.10.2.dev20260603
libtpu: 0.0.44.dev20260713+nightly
codegen_flags: <defaults>
</compile_context>

<pallas_src>
import functools

import numpy as np

import jax
import jax.numpy as jnp
from jax import lax
from jax.experimental import pallas as pl
from jax.experimental.pallas import tpu as pltpu
from jax.experimental.pallas import tpu_sc as plsc

_OPTIMAL_SCALE = 2.513930578568423
_N_LEVELS = 16
_MAGIC = np.float32(1.5 * 2**23)

_ROW = 4096
_CR = 4
_CHUNK = _CR * _ROW
_NW = 32
_L = 16


def _newton_rsqrt(m):
    i = plsc.bitcast(m, jnp.int32)
    i = jnp.int32(0x5F3759DF) - lax.shift_right_arithmetic(i, 1)
    y = plsc.bitcast(i, jnp.float32)
    for _ in range(4):
        y = y * (jnp.float32(1.5) - jnp.float32(0.5) * m * y * y)
    return y


def _sc_body(x_hbm, out_hbm, xbufs, obufs, psum_row, in_sems, out_sems):
    wid = lax.axis_index("c") * 16 + lax.axis_index("s")
    rows_per_w = 8192 // _NW
    chunks = rows_per_w // _CR
    base_row = wid * rows_per_w

    iot = lax.iota(jnp.int32, _L)
    perm1 = iot ^ 1
    perm2 = iot ^ 2
    perm4 = iot ^ 4
    perm6 = iot ^ 6
    tb_b = lax.shift_right_logical(iot, 1) & 1
    tb_cd = lax.shift_right_logical(iot, 2) & 1

    def chunk_start(c):
        return base_row + c * _CR

    def start_in(c, b):
        pltpu.async_copy(x_hbm.at[pl.ds(chunk_start(c), _CR)], xbufs[b],
                         in_sems[b])

    def wait_in(c, b):
        pltpu.make_async_copy(x_hbm.at[pl.ds(chunk_start(c), _CR)],
                              xbufs[b], in_sems[b]).wait()

    def start_out(c, b):
        pltpu.async_copy(obufs[b], out_hbm.at[pl.ds(chunk_start(c), _CR)],
                         out_sems[b])

    def wait_out(c, b):
        pltpu.make_async_copy(obufs[b],
                              out_hbm.at[pl.ds(chunk_start(c), _CR)],
                              out_sems[b]).wait()

    def compute_row(r, b):
        xbuf = xbufs[b]
        obuf = obufs[b]

        z = jnp.zeros((_L,), jnp.float32)

        @plsc.parallel_loop(0, 256, 4, unroll=2, carry=(z, z, z, z))
        def pa_loop(j, accs):
            acc = list(accs)
            for u in range(4):
                q = j + u
                off = q * _L
                v = xbuf[r, pl.ds(off, _L)]
                p = plsc.load_gather(xbuf.at[r, pl.ds(off, _L)], [perm1])
                s = v * v
                psum_row[pl.ds(off, _L)] = s + p * p
                acc[u] = acc[u] + s
            return tuple(acc)

        a0, a1, a2, a3 = pa_loop
        total = jnp.sum((a0 + a1) + (a2 + a3))
        mean = jnp.full((_L,), total * jnp.float32(1.0 / _ROW))
        sqrt_m = mean * _newton_rsqrt(mean)
        scale = jnp.float32(_OPTIMAL_SCALE) * sqrt_m + jnp.float32(1e-8)
        step = scale * jnp.float32(2.0 / (_N_LEVELS - 1))
        halfstep = scale * jnp.float32(1.0 / (_N_LEVELS - 1))
        recip = jnp.float32(1.0) / step
        nscale = -scale

        @plsc.parallel_loop(0, 256, unroll=8)
        def pb_loop(q):
            off = q * _L
            v = xbuf[r, pl.ds(off, _L)]
            pslice = psum_row.at[pl.ds(off, _L)]
            k = plsc.bitcast(psum_row[pl.ds(off, _L)], jnp.int32)
            kb = plsc.bitcast(plsc.load_gather(pslice, [perm2]), jnp.int32)
            kc = plsc.bitcast(plsc.load_gather(pslice, [perm4]), jnp.int32)
            kd = plsc.bitcast(plsc.load_gather(pslice, [perm6]), jnp.int32)
            mb = kb - tb_b
            mc = kc - tb_cd
            md = kd - tb_cd
            med = jnp.maximum(jnp.minimum(mb, mc),
                              jnp.minimum(jnp.maximum(mb, mc), md))
            keep = med < k
            xc = jnp.minimum(jnp.maximum(v, nscale), scale)
            t = xc * recip + jnp.float32(0.5)
            rr = (t + _MAGIC) - _MAGIC
            xq = rr * step - halfstep
            obuf[r, pl.ds(off, _L)] = jnp.where(keep, xq, jnp.float32(0.0))

    start_in(0, 0)
    start_in(1, 1)

    def pair_body(i, carry):
        for b in (0, 1):
            c = 2 * i + b
            wait_in(c, b)

            @pl.when(i >= 1)
            def _():
                wait_out(c - 2, b)

            def row_body(r, carry2):
                compute_row(r, b)
                return carry2

            lax.fori_loop(0, _CR, row_body, 0)
            start_out(c, b)

            @pl.when(i <= chunks // 2 - 2)
            def _():
                start_in(c + 2, b)

        return carry

    lax.fori_loop(0, chunks // 2, pair_body, 0)
    wait_out(chunks - 2, 0)
    wait_out(chunks - 1, 1)


@jax.jit
def _sc_quantize(xf):
    mesh = plsc.VectorSubcoreMesh(core_axis_name="c", subcore_axis_name="s")
    body = functools.partial(
        pl.kernel,
        out_type=jax.ShapeDtypeStruct(xf.shape, jnp.float32),
        mesh=mesh,
        compiler_params=pltpu.CompilerParams(needs_layout_passes=False),
        scratch_types=[
            [pltpu.VMEM((_CR, _ROW), jnp.float32) for _ in range(2)],
            [pltpu.VMEM((_CR, _ROW), jnp.float32) for _ in range(2)],
            pltpu.VMEM((_ROW,), jnp.float32),
            [pltpu.SemaphoreType.DMA for _ in range(2)],
            [pltpu.SemaphoreType.DMA for _ in range(2)],
        ],
    )(_sc_body)
    return body(xf)


def kernel(x):
    shape = x.shape
    out = _sc_quantize(x.reshape(-1, shape[-1]))
    return out.reshape(shape)

# --- scband reference (transcript-rebuilt; emitter-appended) ---
"""Pipeline reference for scband-four-eight-stequantizer-22471268893171 (READ-ONLY COPY).

The authoritative reference and input builder live on the scoring server;
editing this copy changes nothing except your own understanding.
"""

import jax, jax.numpy as jnp
import numpy as np

OPTIMAL_SCALE = 2.513930578568423  # bits=4
BITS = 4
P = 2.0

def setup_inputs(seed: int = 0) -> dict:
    key = jax.random.key(seed)
    x = jax.random.normal(key, (2, 4096, 4096), dtype=jnp.float32)
    return {"x": x}

def reference(x):
    n_levels = 2 ** BITS
    scale = OPTIMAL_SCALE * jnp.sqrt(jnp.mean(x ** 2, axis=-1, keepdims=True)) + 1e-08
    step = 2 * scale / (n_levels - 1)
    x_clip = jnp.clip(x, -scale, scale)
    xq = jnp.round(x_clip / step + 0.5) * step - step / 2
    x_r = x.reshape(-1, 4, 2)
    norms = jnp.sum(jnp.abs(x_r) ** P, axis=-1) ** (1.0 / P)
    # smallest-2 of 4 pair-norms == top_k of negated norms
    _, idx = jax.lax.top_k(-norms, 2)
    N = x_r.shape[0]
    mask = jnp.ones((N, 4), dtype=x.dtype)
    mask = mask.at[jnp.arange(N)[:, None], idx].set(0.0)
    xq = (xq.reshape(-1, 4, 2) * mask[:, :, None]).reshape(x.shape)
    return x + jax.lax.stop_gradient(xq - x)

if __name__ == "__main__":
    import jax
    _d = setup_inputs()
    print(jax.jit(kernel)(*tuple(_d.values())))

</pallas_src>

<mosaic_0001>
#map = affine_map<(d0, d1) -> (0, 0)>
module attributes {stable_mosaic.version = 14 : i64} {
  func.func @_sc_body(%arg0: i32, %arg1: i32, %arg2: memref<8192x4096xf32, #tpu.memory_space<hbm>>, %arg3: memref<8192x4096xf32, #tpu.memory_space<hbm>>, %arg4: memref<4x4096xf32, #tpu.memory_space<vmem>>, %arg5: memref<4x4096xf32, #tpu.memory_space<vmem>>, %arg6: memref<4x4096xf32, #tpu.memory_space<vmem>>, %arg7: memref<4x4096xf32, #tpu.memory_space<vmem>>, %arg8: memref<4096xf32, #tpu.memory_space<vmem>>, %arg9: memref<!tpu.dma_semaphore, #tpu.memory_space<semaphore_mem>>, %arg10: memref<!tpu.dma_semaphore, #tpu.memory_space<semaphore_mem>>, %arg11: memref<!tpu.dma_semaphore, #tpu.memory_space<semaphore_mem>>, %arg12: memref<!tpu.dma_semaphore, #tpu.memory_space<semaphore_mem>>) attributes {dimension_semantics = [#tpu.dimension_semantics<core_parallel>, #tpu.dimension_semantics<subcore_parallel>], iteration_bounds = array<i64: 2, 16>, scalar_prefetch = 0 : i64, scratch_operands = 9 : i64, tpu.core_type = #tpu.core_type<sc_vector_subcore>, window_params = [{transform_indices = #map}, {transform_indices = #map}]} {
    %mul3A = arith.constant 16 : i32
    %mul3A_0 = arith.muli %arg0, %mul3A : i32
    %add3A = arith.addi %mul3A_0, %arg1 : i32
    %mul3A_1 = arith.constant 256 : i32
    %mul3A_2 = arith.muli %add3A, %mul3A_1 : i32
    %iota3A = tpu.iota {dimensions = array<i32: 0>} : vector<16xi32>
    %xor3A = arith.constant 1 : i32
    %xor3A_3 = vector.broadcast %xor3A : i32 to vector<16xi32>
    %xor3A_4 = arith.xori %iota3A, %xor3A_3 : vector<16xi32>
    %xor3A_5 = arith.constant 2 : i32
    %xor3A_6 = vector.broadcast %xor3A_5 : i32 to vector<16xi32>
    %xor3A_7 = arith.xori %iota3A, %xor3A_6 : vector<16xi32>
    %xor3A_8 = arith.constant 4 : i32
    %xor3A_9 = vector.broadcast %xor3A_8 : i32 to vector<16xi32>
    %xor3A_10 = arith.xori %iota3A, %xor3A_9 : vector<16xi32>
    %xor3A_11 = arith.constant 6 : i32
    %xor3A_12 = vector.broadcast %xor3A_11 : i32 to vector<16xi32>
    %xor3A_13 = arith.xori %iota3A, %xor3A_12 : vector<16xi32>
    %shift_right_logical3A = arith.constant 1 : i32
    %shift_right_logical3A_14 = vector.broadcast %shift_right_logical3A : i32 to vector<16xi32>
    %shift_right_logical3A_15 = arith.shrui %iota3A, %shift_right_logical3A_14 : vector<16xi32>
    %and3A = arith.constant 1 : i32
    %and3A_16 = vector.broadcast %and3A : i32 to vector<16xi32>
    %and3A_17 = arith.andi %shift_right_logical3A_15, %and3A_16 : vector<16xi32>
    %shift_right_logical3A_18 = arith.constant 2 : i32
    %shift_right_logical3A_19 = vector.broadcast %shift_right_logical3A_18 : i32 to vector<16xi32>
    %shift_right_logical3A_20 = arith.shrui %iota3A, %shift_right_logical3A_19 : vector<16xi32>
    %and3A_21 = arith.constant 1 : i32
    %and3A_22 = vector.broadcast %and3A_21 : i32 to vector<16xi32>
    %and3A_23 = arith.andi %shift_right_logical3A_20, %and3A_22 : vector<16xi32>
    %add3A_24 = arith.constant 0 : i32
    %add3A_25 = arith.addi %mul3A_2, %add3A_24 : i32
    %dma_start3A = arith.constant 0 : i32
    %dma_start3A_26 = tpu.memref_slice %arg2[%add3A_25, %dma_start3A] : memref<8192x4096xf32, #tpu.memory_space<hbm>> -> memref<4x4096xf32, #tpu.memory_space<hbm>>
    %dma_start3A_27 = arith.constant 0 : i32
    %dma_start3A_28 = tpu.memref_slice %arg2[%add3A_25, %dma_start3A_27] : memref<8192x4096xf32, #tpu.memory_space<hbm>> -> memref<4x4096xf32, #tpu.memory_space<hbm>>
    tpu.enqueue_dma source(%dma_start3A_28 : memref<4x4096xf32, #tpu.memory_space<hbm>>) target(%arg4 : memref<4x4096xf32, #tpu.memory_space<vmem>>) target_semaphore(%arg9 : memref<!tpu.dma_semaphore, #tpu.memory_space<semaphore_mem>>)
    %add3A_29 = arith.constant 4 : i32
    %add3A_30 = arith.addi %mul3A_2, %add3A_29 : i32
    %dma_start3A_31 = arith.constant 0 : i32
    %dma_start3A_32 = tpu.memref_slice %arg2[%add3A_30, %dma_start3A_31] : memref<8192x4096xf32, #tpu.memory_space<hbm>> -> memref<4x4096xf32, #tpu.memory_space<hbm>>
    %dma_start3A_33 = arith.constant 0 : i32
    %dma_start3A_34 = tpu.memref_slice %arg2[%add3A_30, %dma_start3A_33] : memref<8192x4096xf32, #tpu.memory_space<hbm>> -> memref<4x4096xf32, #tpu.memory_space<hbm>>
    tpu.enqueue_dma source(%dma_start3A_34 : memref<4x4096xf32, #tpu.memory_space<hbm>>) target(%arg5 : memref<4x4096xf32, #tpu.memory_space<vmem>>) target_semaphore(%arg10 : memref<!tpu.dma_semaphore, #tpu.memory_space<semaphore_mem>>)
    %scan3A = arith.constant 0 : i32
    %scan3A_35 = arith.constant 0 : i32
    %scan3A_36 = arith.constant 32 : i32
    %scan3A_37 = arith.addi %scan3A_35, %scan3A_36 : i32
    %scan3A_38 = arith.constant 1 : i32
    scf.for %scan3A_51 = %scan3A_35 to %scan3A_37 step %scan3A_38  : i32 {
      %mul3A_52 = arith.constant 2 : i32
      %mul3A_53 = arith.muli %mul3A_52, %scan3A_51 : i32
      %add3A_54 = arith.constant 0 : i32
      %add3A_55 = arith.addi %mul3A_53, %add3A_54 : i32
      %mul3A_56 = arith.constant 4 : i32
      %mul3A_57 = arith.muli %add3A_55, %mul3A_56 : i32
      %add3A_58 = arith.addi %mul3A_2, %mul3A_57 : i32
      %dma_wait3A_59 = arith.constant 0 : i32
      %dma_wait3A_60 = tpu.memref_slice %arg2[%add3A_58, %dma_wait3A_59] : memref<8192x4096xf32, #tpu.memory_space<hbm>> -> memref<4x4096xf32, #tpu.memory_space<hbm>>
      %dma_wait3A_61 = arith.constant 0 : i32
      %dma_wait3A_62 = tpu.memref_slice %arg2[%add3A_58, %dma_wait3A_61] : memref<8192x4096xf32, #tpu.memory_space<hbm>> -> memref<4x4096xf32, #tpu.memory_space<hbm>>
      tpu.wait_dma2 semaphore(%arg9 : memref<!tpu.dma_semaphore, #tpu.memory_space<semaphore_mem>>) src(%dma_wait3A_62 : memref<4x4096xf32, #tpu.memory_space<hbm>>) dst(%arg4 : memref<4x4096xf32, #tpu.memory_space<vmem>>)
      %ge3A = arith.constant 1 : i32
      %ge3A_63 = arith.cmpi sge, %scan3A_51, %ge3A : i32
      %convert_element_type3A = arith.extui %ge3A_63 : i1 to i32
      %cond3A = arith.constant 0 : i32
      %cond3A_64 = arith.cmpi ne, %convert_element_type3A, %cond3A : i32
      scf.if %cond3A_64 {
        %sub3A = arith.constant 2 : i32
        %sub3A_116 = arith.subi %add3A_55, %sub3A : i32
        %mul3A_117 = arith.constant 4 : i32
        %mul3A_118 = arith.muli %sub3A_116, %mul3A_117 : i32
        %add3A_119 = arith.addi %mul3A_2, %mul3A_118 : i32
        %dma_wait3A_120 = arith.constant 0 : i32
        %dma_wait3A_121 = tpu.memref_slice %arg3[%add3A_119, %dma_wait3A_120] : memref<8192x4096xf32, #tpu.memory_space<hbm>> -> memref<4x4096xf32, #tpu.memory_space<hbm>>
        %dma_wait3A_122 = arith.constant 0 : i32
        %dma_wait3A_123 = tpu.memref_slice %arg3[%add3A_119, %dma_wait3A_122] : memref<8192x4096xf32, #tpu.memory_space<hbm>> -> memref<4x4096xf32, #tpu.memory_space<hbm>>
        tpu.wait_dma2 semaphore(%arg11 : memref<!tpu.dma_semaphore, #tpu.memory_space<semaphore_mem>>) src(%arg6 : memref<4x4096xf32, #tpu.memory_space<vmem>>) dst(%dma_wait3A_123 : memref<4x4096xf32, #tpu.memory_space<hbm>>)
      } else {
      }
      %scan3A_65 = arith.constant 0 : i32
      %scan3A_66 = arith.constant 0 : i32
      %scan3A_67 = arith.constant 4 : i32
      %scan3A_68 = arith.addi %scan3A_66, %scan3A_67 : i32
      %scan3A_69 = arith.constant 1 : i32
      scf.for %scan3A_116 = %scan3A_66 to %scan3A_68 step %scan3A_69  : i32 {
        %broadcast_in_dim3A = arith.constant 0.000000e+00 : f32
        %broadcast_in_dim3A_117 = vector.broadcast %broadcast_in_dim3A : f32 to vector<16xf32>
        %parallel_loop3A = arith.constant 0 : i32
        %parallel_loop3A_118 = arith.constant 256 : i32
        %parallel_loop3A_119 = arith.constant 4 : i32
        %parallel_loop3A_120:4 = scf.for %parallel_loop3A_191 = %parallel_loop3A to %parallel_loop3A_118 step %parallel_loop3A_119 iter_args(%parallel_loop3A_192 = %broadcast_in_dim3A_117, %parallel_loop3A_193 = %broadcast_in_dim3A_117, %parallel_loop3A_194 = %broadcast_in_dim3A_117, %parallel_loop3A_195 = %broadcast_in_dim3A_117) -> (vector<16xf32>, vector<16xf32>, vector<16xf32>, vector<16xf32>)  : i32 {
          %parallel_loop3A_196 = arith.constant 0 : i32
          %parallel_loop3A_197 = arith.addi %parallel_loop3A_191, %parallel_loop3A_196 : i32
          %parallel_loop3A_198 = arith.constant 16 : i32
          %parallel_loop3A_199 = arith.muli %parallel_loop3A_197, %parallel_loop3A_198 : i32
          %parallel_loop3A_200 = arith.index_cast %scan3A_116 : i32 to index
          %parallel_loop3A_201 = arith.index_cast %parallel_loop3A_199 : i32 to index
          %parallel_loop3A_202 = tpu.vector_load %arg4[%parallel_loop3A_200, %parallel_loop3A_201] {strides = array<i32>} : memref<4x4096xf32, #tpu.memory_space<vmem>>, vector<16xf32>,
          %parallel_loop3A_203 = tpu.memref_slice %arg4[%scan3A_116, %parallel_loop3A_199] : memref<4x4096xf32, #tpu.memory_space<vmem>> -> memref<1x16xf32, #tpu.memory_space<vmem>>
          %parallel_loop3A_204 = tpu.memref_squeeze %parallel_loop3A_203 : memref<1x16xf32, #tpu.memory_space<vmem>> -> memref<16xf32, #tpu.memory_space<vmem>>
          %parallel_loop3A_205 = tpu.vector_load_idx %parallel_loop3A_204[%xor3A_4] : memref<16xf32, #tpu.memory_space<vmem>>[vector<16xi32>], vector<16xf32>,
          %parallel_loop3A_206 = arith.mulf %parallel_loop3A_202, %parallel_loop3A_202 : vector<16xf32>
          %parallel_loop3A_207 = arith.mulf %parallel_loop3A_205, %parallel_loop3A_205 : vector<16xf32>
          %parallel_loop3A_208 = arith.addf %parallel_loop3A_206, %parallel_loop3A_207 : vector<16xf32>
          %parallel_loop3A_209 = arith.index_cast %parallel_loop3A_199 : i32 to index
          %parallel_loop3A_210 = tpu.vector_load %arg8[%parallel_loop3A_209] {strides = array<i32>} : memref<4096xf32, #tpu.memory_space<vmem>>, vector<16xf32>,
          tpu.vector_store %arg8[%parallel_loop3A_209], %parallel_loop3A_208 {strides = array<i32>} : memref<4096xf32, #tpu.memory_space<vmem>>, vector<16xf32>,
          %parallel_loop3A_211 = arith.addf %parallel_loop3A_192, %parallel_loop3A_206 : vector<16xf32>
          %parallel_loop3A_212 = arith.constant 1 : i32
          %parallel_loop3A_213 = arith.addi %parallel_loop3A_191, %parallel_loop3A_212 : i32
          %parallel_loop3A_214 = arith.constant 16 : i32
          %parallel_loop3A_215 = arith.muli %parallel_loop3A_213, %parallel_loop3A_214 : i32
          %parallel_loop3A_216 = arith.index_cast %scan3A_116 : i32 to index
          %parallel_loop3A_217 = arith.index_cast %parallel_loop3A_215 : i32 to index
          %parallel_loop3A_218 = tpu.vector_load %arg4[%parallel_loop3A_216, %parallel_loop3A_217] {strides = array<i32>} : memref<4x4096xf32, #tpu.memory_space<vmem>>, vector<16xf32>,
          %parallel_loop3A_219 = tpu.memref_slice %arg4[%scan3A_116, %parallel_loop3A_215] : memref<4x4096xf32, #tpu.memory_space<vmem>> -> memref<1x16xf32, #tpu.memory_space<vmem>>
          %parallel_loop3A_220 = tpu.memref_squeeze %parallel_loop3A_219 : memref<1x16xf32, #tpu.memory_space<vmem>> -> memref<16xf32, #tpu.memory_space<vmem>>
          %parallel_loop3A_221 = tpu.vector_load_idx %parallel_loop3A_220[%xor3A_4] : memref<16xf32, #tpu.memory_space<vmem>>[vector<16xi32>], vector<16xf32>,
          %parallel_loop3A_222 = arith.mulf %parallel_loop3A_218, %parallel_loop3A_218 : vector<16xf32>
          %parallel_loop3A_223 = arith.mulf %parallel_loop3A_221, %parallel_loop3A_221 : vector<16xf32>
          %parallel_loop3A_224 = arith.addf %parallel_loop3A_222, %parallel_loop3A_223 : vector<16xf32>
          %parallel_loop3A_225 = arith.index_cast %parallel_loop3A_215 : i32 to index
          %parallel_loop3A_226 = tpu.vector_load %arg8[%parallel_loop3A_225] {strides = array<i32>} : memref<4096xf32, #tpu.memory_space<vmem>>, vector<16xf32>,
          tpu.vector_store %arg8[%parallel_loop3A_225], %parallel_loop3A_224 {strides = array<i32>} : memref<4096xf32, #tpu.memory_space<vmem>>, vector<16xf32>,
          %parallel_loop3A_227 = arith.addf %parallel_loop3A_193, %parallel_loop3A_222 : vector<16xf32>
          %parallel_loop3A_228 = arith.constant 2 : i32
          %parallel_loop3A_229 = arith.addi %parallel_loop3A_191, %parallel_loop3A_228 : i32
          %parallel_loop3A_230 = arith.constant 16 : i32
          %parallel_loop3A_231 = arith.muli %parallel_loop3A_229, %parallel_loop3A_230 : i32
          %parallel_loop3A_232 = arith.index_cast %scan3A_116 : i32 to index
          %parallel_loop3A_233 = arith.index_cast %parallel_loop3A_231 : i32 to index
          %parallel_loop3A_234 = tpu.vector_load %arg4[%parallel_loop3A_232, %parallel_loop3A_233] {strides = array<i32>} : memref<4x4096xf32, #tpu.memory_space<vmem>>, vector<16xf32>,
          %parallel_loop3A_235 = tpu.memref_slice %arg4[%scan3A_116, %parallel_loop3A_231] : memref<4x4096xf32, #tpu.memory_space<vmem>> -> memref<1x16xf32, #tpu.memory_space<vmem>>
          %parallel_loop3A_236 = tpu.memref_squeeze %parallel_loop3A_235 : memref<1x16xf32, #tpu.memory_space<vmem>> -> memref<16xf32, #tpu.memory_space<vmem>>
          %parallel_loop3A_237 = tpu.vector_load_idx %parallel_loop3A_236[%xor3A_4] : memref<16xf32, #tpu.memory_space<vmem>>[vector<16xi32>], vector<16xf32>,
          %parallel_loop3A_238 = arith.mulf %parallel_loop3A_234, %parallel_loop3A_234 : vector<16xf32>
          %parallel_loop3A_239 = arith.mulf %parallel_loop3A_237, %parallel_loop3A_237 : vector<16xf32>
          %parallel_loop3A_240 = arith.addf %parallel_loop3A_238, %parallel_loop3A_239 : vector<16xf32>
          %parallel_loop3A_241 = arith.index_cast %parallel_loop3A_231 : i32 to index
          %parallel_loop3A_242 = tpu.vector_load %arg8[%parallel_loop3A_241] {strides = array<i32>} : memref<4096xf32, #tpu.memory_space<vmem>>, vector<16xf32>,
          tpu.vector_store %arg8[%parallel_loop3A_241], %parallel_loop3A_240 {strides = array<i32>} : memref<4096xf32, #tpu.memory_space<vmem>>, vector<16xf32>,
          %parallel_loop3A_243 = arith.addf %parallel_loop3A_194, %parallel_loop3A_238 : vector<16xf32>
          %parallel_loop3A_244 = arith.constant 3 : i32
          %parallel_loop3A_245 = arith.addi %parallel_loop3A_191, %parallel_loop3A_244 : i32
          %parallel_loop3A_246 = arith.constant 16 : i32
          %parallel_loop3A_247 = arith.muli %parallel_loop3A_245, %parallel_loop3A_246 : i32
          %parallel_loop3A_248 = arith.index_cast %scan3A_116 : i32 to index
          %parallel_loop3A_249 = arith.index_cast %parallel_loop3A_247 : i32 to index
          %parallel_loop3A_250 = tpu.vector_load %arg4[%parallel_loop3A_248, %parallel_loop3A_249] {strides = array<i32>} : memref<4x4096xf32, #tpu.memory_space<vmem>>, vector<16xf32>,
          %parallel_loop3A_251 = tpu.memref_slice %arg4[%scan3A_116, %parallel_loop3A_247] : memref<4x4096xf32, #tpu.memory_space<vmem>> -> memref<1x16xf32, #tpu.memory_space<vmem>>
          %parallel_loop3A_252 = tpu.memref_squeeze %parallel_loop3A_251 : memref<1x16xf32, #tpu.memory_space<vmem>> -> memref<16xf32, #tpu.memory_space<vmem>>
          %parallel_loop3A_253 = tpu.vector_load_idx %parallel_loop3A_252[%xor3A_4] : memref<16xf32, #tpu.memory_space<vmem>>[vector<16xi32>], vector<16xf32>,
          %parallel_loop3A_254 = arith.mulf %parallel_loop3A_250, %parallel_loop3A_250 : vector<16xf32>
          %parallel_loop3A_255 = arith.mulf %parallel_loop3A_253, %parallel_loop3A_253 : vector<16xf32>
          %parallel_loop3A_256 = arith.addf %parallel_loop3A_254, %parallel_loop3A_255 : vector<16xf32>
          %parallel_loop3A_257 = arith.index_cast %parallel_loop3A_247 : i32 to index
          %parallel_loop3A_258 = tpu.vector_load %arg8[%parallel_loop3A_257] {strides = array<i32>} : memref<4096xf32, #tpu.memory_space<vmem>>, vector<16xf32>,
          tpu.vector_store %arg8[%parallel_loop3A_257], %parallel_loop3A_256 {strides = array<i32>} : memref<4096xf32, #tpu.memory_space<vmem>>, vector<16xf32>,
          %parallel_loop3A_259 = arith.addf %parallel_loop3A_195, %parallel_loop3A_254 : vector<16xf32>
          scf.yield %parallel_loop3A_211, %parallel_loop3A_227, %parallel_loop3A_243, %parallel_loop3A_259 : vector<16xf32>, vector<16xf32>, vector<16xf32>, vector<16xf32>
        } {sc.loop_unroll_factor = 2 : i64, sc.parallel_access}
        %add3A_121 = arith.addf %parallel_loop3A_120#0, %parallel_loop3A_120#1 : vector<16xf32>
        %add3A_122 = arith.addf %parallel_loop3A_120#2, %parallel_loop3A_120#3 : vector<16xf32>
        %add3A_123 = arith.addf %add3A_121, %add3A_122 : vector<16xf32>
        %reduce_sum3A = arith.constant true
        %reduce_sum3A_124 = vector.broadcast %reduce_sum3A : i1 to vector<16xi1>
        %reduce_sum3A_125 = tpu.scan <sum>, %add3A_123 masked %reduce_sum3A_124 : vector<16xf32>, vector<16xi1> -> vector<16xf32>
        %reduce_sum3A_126 = vector.extract %reduce_sum3A_125[15] : f32 from vector<16xf32>
        %mul3A_127 = arith.constant 2.44140625E-4 : f32
        %mul3A_128 = arith.mulf %reduce_sum3A_126, %mul3A_127 : f32
        %broadcast_in_dim3A_129 = vector.broadcast %mul3A_128 : f32 to vector<16xf32>
        %bitcast3A = vector.bitcast %broadcast_in_dim3A_129 : vector<16xf32> to vector<16xi32>
        %shift_right_arithmetic3A = arith.constant 1 : i32
        %shift_right_arithmetic3A_130 = vector.broadcast %shift_right_arithmetic3A : i32 to vector<16xi32>
        %shift_right_arithmetic3A_131 = arith.shrsi %bitcast3A, %shift_right_arithmetic3A_130 : vector<16xi32>
        %sub3A = arith.constant 1597463007 : i32
        %sub3A_132 = vector.broadcast %sub3A : i32 to vector<16xi32>
        %sub3A_133 = arith.subi %sub3A_132, %shift_right_arithmetic3A_131 : vector<16xi32>
        %bitcast3A_134 = vector.bitcast %sub3A_133 : vector<16xi32> to vector<16xf32>
        %mul3A_135 = arith.constant 5.000000e-01 : f32
        %mul3A_136 = vector.broadcast %mul3A_135 : f32 to vector<16xf32>
        %mul3A_137 = arith.mulf %mul3A_136, %broadcast_in_dim3A_129 : vector<16xf32>
        %mul3A_138 = arith.mulf %mul3A_137, %bitcast3A_134 : vector<16xf32>
        %mul3A_139 = arith.mulf %mul3A_138, %bitcast3A_134 : vector<16xf32>
        %sub3A_140 = arith.constant 1.500000e+00 : f32
        %sub3A_141 = vector.broadcast %sub3A_140 : f32 to vector<16xf32>
        %sub3A_142 = arith.subf %sub3A_141, %mul3A_139 : vector<16xf32>
        %mul3A_143 = arith.mulf %bitcast3A_134, %sub3A_142 : vector<16xf32>
        %mul3A_144 = arith.constant 5.000000e-01 : f32
        %mul3A_145 = vector.broadcast %mul3A_144 : f32 to vector<16xf32>
        %mul3A_146 = arith.mulf %mul3A_145, %broadcast_in_dim3A_129 : vector<16xf32>
        %mul3A_147 = arith.mulf %mul3A_146, %mul3A_143 : vector<16xf32>
        %mul3A_148 = arith.mulf %mul3A_147, %mul3A_143 : vector<16xf32>
        %sub3A_149 = arith.constant 1.500000e+00 : f32
        %sub3A_150 = vector.broadcast %sub3A_149 : f32 to vector<16xf32>
        %sub3A_151 = arith.subf %sub3A_150, %mul3A_148 : vector<16xf32>
        %mul3A_152 = arith.mulf %mul3A_143, %sub3A_151 : vector<16xf32>
        %mul3A_153 = arith.constant 5.000000e-01 : f32
        %mul3A_154 = vector.broadcast %mul3A_153 : f32 to vector<16xf32>
        %mul3A_155 = arith.mulf %mul3A_154, %broadcast_in_dim3A_129 : vector<16xf32>
        %mul3A_156 = arith.mulf %mul3A_155, %mul3A_152 : vector<16xf32>
        %mul3A_157 = arith.mulf %mul3A_156, %mul3A_152 : vector<16xf32>
        %sub3A_158 = arith.constant 1.500000e+00 : f32
        %sub3A_159 = vector.broadcast %sub3A_158 : f32 to vector<16xf32>
        %sub3A_160 = arith.subf %sub3A_159, %mul3A_157 : vector<16xf32>
        %mul3A_161 = arith.mulf %mul3A_152, %sub3A_160 : vector<16xf32>
        %mul3A_162 = arith.constant 5.000000e-01 : f32
        %mul3A_163 = vector.broadcast %mul3A_162 : f32 to vector<16xf32>
        %mul3A_164 = arith.mulf %mul3A_163, %broadcast_in_dim3A_129 : vector<16xf32>
        %mul3A_165 = arith.mulf %mul3A_164, %mul3A_161 : vector<16xf32>
        %mul3A_166 = arith.mulf %mul3A_165, %mul3A_161 : vector<16xf32>
        %sub3A_167 = arith.constant 1.500000e+00 : f32
        %sub3A_168 = vector.broadcast %sub3A_167 : f32 to vector<16xf32>
        %sub3A_169 = arith.subf %sub3A_168, %mul3A_166 : vector<16xf32>
        %mul3A_170 = arith.mulf %mul3A_161, %sub3A_169 : vector<16xf32>
        %mul3A_171 = arith.mulf %broadcast_in_dim3A_129, %mul3A_170 : vector<16xf32>
        %mul3A_172 = arith.constant 2.51393056 : f32
        %mul3A_173 = vector.broadcast %mul3A_172 : f32 to vector<16xf32>
        %mul3A_174 = arith.mulf %mul3A_173, %mul3A_171 : vector<16xf32>
        %add3A_175 = arith.constant 9.99999993E-9 : f32
        %add3A_176 = vector.broadcast %add3A_175 : f32 to vector<16xf32>
        %add3A_177 = arith.addf %mul3A_174, %add3A_176 : vector<16xf32>
        %mul3A_178 = arith.constant 0.13333334 : f32
        %mul3A_179 = vector.broadcast %mul3A_178 : f32 to vector<16xf32>
        %mul3A_180 = arith.mulf %add3A_177, %mul3A_179 : vector<16xf32>
        %mul3A_181 = arith.constant 0.0666666701 : f32
        %mul3A_182 = vector.broadcast %mul3A_181 : f32 to vector<16xf32>
        %mul3A_183 = arith.mulf %add3A_177, %mul3A_182 : vector<16xf32>
        %div3A = arith.constant 1.000000e+00 : f32
        %div3A_184 = vector.broadcast %div3A : f32 to vector<16xf32>
        %div3A_185 = arith.divf %div3A_184, %mul3A_180 : vector<16xf32>
        %neg3A = arith.constant 0.000000e+00 : f32
        %neg3A_186 = vector.broadcast %neg3A : f32 to vector<16xf32>
        %neg3A_187 = arith.subf %neg3A_186, %add3A_177 : vector<16xf32>
        %parallel_loop3A_188 = arith.constant 0 : i32
        %parallel_loop3A_189 = arith.constant 256 : i32
        %parallel_loop3A_190 = arith.constant 1 : i32
        scf.for %parallel_loop3A_191 = %parallel_loop3A_188 to %parallel_loop3A_189 step %parallel_loop3A_190  : i32 {
          %parallel_loop3A_192 = arith.constant 16 : i32
          %parallel_loop3A_193 = arith.muli %parallel_loop3A_191, %parallel_loop3A_192 : i32
          %parallel_loop3A_194 = arith.index_cast %scan3A_116 : i32 to index
          %parallel_loop3A_195 = arith.index_cast %parallel_loop3A_193 : i32 to index
          %parallel_loop3A_196 = tpu.vector_load %arg4[%parallel_loop3A_194, %parallel_loop3A_195] {strides = array<i32>} : memref<4x4096xf32, #tpu.memory_space<vmem>>, vector<16xf32>,
          %parallel_loop3A_197 = arith.index_cast %parallel_loop3A_193 : i32 to index
          %parallel_loop3A_198 = tpu.vector_load %arg8[%parallel_loop3A_197] {strides = array<i32>} : memref<4096xf32, #tpu.memory_space<vmem>>, vector<16xf32>,
          %parallel_loop3A_199 = vector.bitcast %parallel_loop3A_198 : vector<16xf32> to vector<16xi32>
          %parallel_loop3A_200 = tpu.memref_slice %arg8[%parallel_loop3A_193] : memref<4096xf32, #tpu.memory_space<vmem>> -> memref<16xf32, #tpu.memory_space<vmem>>
          %parallel_loop3A_201 = tpu.vector_load_idx %parallel_loop3A_200[%xor3A_7] : memref<16xf32, #tpu.memory_space<vmem>>[vector<16xi32>], vector<16xf32>,
          %parallel_loop3A_202 = vector.bitcast %parallel_loop3A_201 : vector<16xf32> to vector<16xi32>
          %parallel_loop3A_203 = tpu.memref_slice %arg8[%parallel_loop3A_193] : memref<4096xf32, #tpu.memory_space<vmem>> -> memref<16xf32, #tpu.memory_space<vmem>>
          %parallel_loop3A_204 = tpu.vector_load_idx %parallel_loop3A_203[%xor3A_10] : memref<16xf32, #tpu.memory_space<vmem>>[vector<16xi32>], vector<16xf32>,
          %parallel_loop3A_205 = vector.bitcast %parallel_loop3A_204 : vector<16xf32> to vector<16xi32>
          %parallel_loop3A_206 = tpu.memref_slice %arg8[%parallel_loop3A_193] : memref<4096xf32, #tpu.memory_space<vmem>> -> memref<16xf32, #tpu.memory_space<vmem>>
          %parallel_loop3A_207 = tpu.vector_load_idx %parallel_loop3A_206[%xor3A_13] : memref<16xf32, #tpu.memory_space<vmem>>[vector<16xi32>], vector<16xf32>,
          %parallel_loop3A_208 = vector.bitcast %parallel_loop3A_207 : vector<16xf32> to vector<16xi32>
          %parallel_loop3A_209 = arith.subi %parallel_loop3A_202, %and3A_17 : vector<16xi32>
          %parallel_loop3A_210 = arith.subi %parallel_loop3A_205, %and3A_23 : vector<16xi32>
          %parallel_loop3A_211 = arith.subi %parallel_loop3A_208, %and3A_23 : vector<16xi32>
          %parallel_loop3A_212 = arith.minsi %parallel_loop3A_209, %parallel_loop3A_210 : vector<16xi32>
          %parallel_loop3A_213 = arith.maxsi %parallel_loop3A_209, %parallel_loop3A_210 : vector<16xi32>
          %parallel_loop3A_214 = arith.minsi %parallel_loop3A_213, %parallel_loop3A_211 : vector<16xi32>
          %parallel_loop3A_215 = arith.maxsi %parallel_loop3A_212, %parallel_loop3A_214 : vector<16xi32>
          %parallel_loop3A_216 = arith.cmpi slt, %parallel_loop3A_215, %parallel_loop3A_199 : vector<16xi32>
          %parallel_loop3A_217 = arith.maximumf %parallel_loop3A_196, %neg3A_187 : vector<16xf32>
          %parallel_loop3A_218 = arith.minimumf %parallel_loop3A_217, %add3A_177 : vector<16xf32>
          %parallel_loop3A_219 = arith.mulf %parallel_loop3A_218, %div3A_185 : vector<16xf32>
          %parallel_loop3A_220 = arith.constant 5.000000e-01 : f32
          %parallel_loop3A_221 = vector.broadcast %parallel_loop3A_220 : f32 to vector<16xf32>
          %parallel_loop3A_222 = arith.addf %parallel_loop3A_219, %parallel_loop3A_221 : vector<16xf32>
          %parallel_loop3A_223 = arith.constant 0x4B400000 : f32
          %parallel_loop3A_224 = vector.broadcast %parallel_loop3A_223 : f32 to vector<16xf32>
          %parallel_loop3A_225 = arith.addf %parallel_loop3A_222, %parallel_loop3A_224 : vector<16xf32>
          %parallel_loop3A_226 = arith.constant 0x4B400000 : f32
          %parallel_loop3A_227 = vector.broadcast %parallel_loop3A_226 : f32 to vector<16xf32>
          %parallel_loop3A_228 = arith.subf %parallel_loop3A_225, %parallel_loop3A_227 : vector<16xf32>
          %parallel_loop3A_229 = arith.mulf %parallel_loop3A_228, %mul3A_180 : vector<16xf32>
          %parallel_loop3A_230 = arith.subf %parallel_loop3A_229, %mul3A_183 : vector<16xf32>
          %parallel_loop3A_231 = arith.constant 0.000000e+00 : f32
          %parallel_loop3A_232 = vector.broadcast %parallel_loop3A_231 : f32 to vector<16xf32>
          %parallel_loop3A_233 = arith.select %parallel_loop3A_216, %parallel_loop3A_230, %parallel_loop3A_232 : vector<16xi1>, vector<16xf32>
          %parallel_loop3A_234 = arith.index_cast %scan3A_116 : i32 to index
          %parallel_loop3A_235 = arith.index_cast %parallel_loop3A_193 : i32 to index
          %parallel_loop3A_236 = tpu.vector_load %arg6[%parallel_loop3A_234, %parallel_loop3A_235] {strides = array<i32>} : memref<4x4096xf32, #tpu.memory_space<vmem>>, vector<16xf32>,
          tpu.vector_store %arg6[%parallel_loop3A_234, %parallel_loop3A_235], %parallel_loop3A_233 {strides = array<i32>} : memref<4x4096xf32, #tpu.memory_space<vmem>>, vector<16xf32>,
        } {sc.loop_unroll_factor = 8 : i64, sc.parallel_access}
      }
      %scan3A_70 = arith.constant 4 : i32
      %mul3A_71 = arith.constant 4 : i32
      %mul3A_72 = arith.muli %add3A_55, %mul3A_71 : i32
      %add3A_73 = arith.addi %mul3A_2, %mul3A_72 : i32
      %dma_start3A_74 = arith.constant 0 : i32
      %dma_start3A_75 = tpu.memref_slice %arg3[%add3A_73, %dma_start3A_74] : memref<8192x4096xf32, #tpu.memory_space<hbm>> -> memref<4x4096xf32, #tpu.memory_space<hbm>>
      %dma_start3A_76 = arith.constant 0 : i32
      %dma_start3A_77 = tpu.memref_slice %arg3[%add3A_73, %dma_start3A_76] : memref<8192x4096xf32, #tpu.memory_space<hbm>> -> memref<4x4096xf32, #tpu.memory_space<hbm>>
      tpu.enqueue_dma source(%arg6 : memref<4x4096xf32, #tpu.memory_space<vmem>>) target(%dma_start3A_77 : memref<4x4096xf32, #tpu.memory_space<hbm>>) target_semaphore(%arg11 : memref<!tpu.dma_semaphore, #tpu.memory_space<semaphore_mem>>)
      %le3A = arith.constant 30 : i32
      %le3A_78 = arith.cmpi sle, %scan3A_51, %le3A : i32
      %convert_element_type3A_79 = arith.extui %le3A_78 : i1 to i32
      %cond3A_80 = arith.constant 0 : i32
      %cond3A_81 = arith.cmpi ne, %convert_element_type3A_79, %cond3A_80 : i32
      scf.if %cond3A_81 {
        %add3A_116 = arith.constant 2 : i32
        %add3A_117 = arith.addi %add3A_55, %add3A_116 : i32
        %mul3A_118 = arith.constant 4 : i32
        %mul3A_119 = arith.muli %add3A_117, %mul3A_118 : i32
        %add3A_120 = arith.addi %mul3A_2, %mul3A_119 : i32
        %dma_start3A_121 = arith.constant 0 : i32
        %dma_start3A_122 = tpu.memref_slice %arg2[%add3A_120, %dma_start3A_121] : memref<8192x4096xf32, #tpu.memory_space<hbm>> -> memref<4x4096xf32, #tpu.memory_space<hbm>>
        %dma_start3A_123 = arith.constant 0 : i32
        %dma_start3A_124 = tpu.memref_slice %arg2[%add3A_120, %dma_start3A_123] : memref<8192x4096xf32, #tpu.memory_space<hbm>> -> memref<4x4096xf32, #tpu.memory_space<hbm>>
        tpu.enqueue_dma source(%dma_start3A_124 : memref<4x4096xf32, #tpu.memory_space<hbm>>) target(%arg4 : memref<4x4096xf32, #tpu.memory_space<vmem>>) target_semaphore(%arg9 : memref<!tpu.dma_semaphore, #tpu.memory_space<semaphore_mem>>)
      } else {
      }
      %mul3A_82 = arith.constant 2 : i32
      %mul3A_83 = arith.muli %mul3A_82, %scan3A_51 : i32
      %add3A_84 = arith.constant 1 : i32
      %add3A_85 = arith.addi %mul3A_83, %add3A_84 : i32
      %mul3A_86 = arith.constant 4 : i32
      %mul3A_87 = arith.muli %add3A_85, %mul3A_86 : i32
      %add3A_88 = arith.addi %mul3A_2, %mul3A_87 : i32
      %dma_wait3A_89 = arith.constant 0 : i32
      %dma_wait3A_90 = tpu.memref_slice %arg2[%add3A_88, %dma_wait3A_89] : memref<8192x4096xf32, #tpu.memory_space<hbm>> -> memref<4x4096xf32, #tpu.memory_space<hbm>>
      %dma_wait3A_91 = arith.constant 0 : i32
      %dma_wait3A_92 = tpu.memref_slice %arg2[%add3A_88, %dma_wait3A_91] : memref<8192x4096xf32, #tpu.memory_space<hbm>> -> memref<4x4096xf32, #tpu.memory_space<hbm>>
      tpu.wait_dma2 semaphore(%arg10 : memref<!tpu.dma_semaphore, #tpu.memory_space<semaphore_mem>>) src(%dma_wait3A_92 : memref<4x4096xf32, #tpu.memory_space<hbm>>) dst(%arg5 : memref<4x4096xf32, #tpu.memory_space<vmem>>)
      %ge3A_93 = arith.constant 1 : i32
      %ge3A_94 = arith.cmpi sge, %scan3A_51, %ge3A_93 : i32
      %convert_element_type3A_95 = arith.extui %ge3A_94 : i1 to i32
      %cond3A_96 = arith.constant 0 : i32
      %cond3A_97 = arith.cmpi ne, %convert_element_type3A_95, %cond3A_96 : i32
      scf.if %cond3A_97 {
        %sub3A = arith.constant 2 : i32
        %sub3A_116 = arith.subi %add3A_85, %sub3A : i32
        %mul3A_117 = arith.constant 4 : i32
        %mul3A_118 = arith.muli %sub3A_116, %mul3A_117 : i32
        %add3A_119 = arith.addi %mul3A_2, %mul3A_118 : i32
        %dma_wait3A_120 = arith.constant 0 : i32
        %dma_wait3A_121 = tpu.memref_slice %arg3[%add3A_119, %dma_wait3A_120] : memref<8192x4096xf32, #tpu.memory_space<hbm>> -> memref<4x4096xf32, #tpu.memory_space<hbm>>
        %dma_wait3A_122 = arith.constant 0 : i32
        %dma_wait3A_123 = tpu.memref_slice %arg3[%add3A_119, %dma_wait3A_122] : memref<8192x4096xf32, #tpu.memory_space<hbm>> -> memref<4x4096xf32, #tpu.memory_space<hbm>>
        tpu.wait_dma2 semaphore(%arg12 : memref<!tpu.dma_semaphore, #tpu.memory_space<semaphore_mem>>) src(%arg7 : memref<4x4096xf32, #tpu.memory_space<vmem>>) dst(%dma_wait3A_123 : memref<4x4096xf32, #tpu.memory_space<hbm>>)
      } else {
      }
      %scan3A_98 = arith.constant 0 : i32
      %scan3A_99 = arith.constant 0 : i32
      %scan3A_100 = arith.constant 4 : i32
      %scan3A_101 = arith.addi %scan3A_99, %scan3A_100 : i32
      %scan3A_102 = arith.constant 1 : i32
      scf.for %scan3A_116 = %scan3A_99 to %scan3A_101 step %scan3A_102  : i32 {
        %broadcast_in_dim3A = arith.constant 0.000000e+00 : f32
        %broadcast_in_dim3A_117 = vector.broadcast %broadcast_in_dim3A : f32 to vector<16xf32>
        %parallel_loop3A = arith.constant 0 : i32
        %parallel_loop3A_118 = arith.constant 256 : i32
        %parallel_loop3A_119 = arith.constant 4 : i32
        %parallel_loop3A_120:4 = scf.for %parallel_loop3A_191 = %parallel_loop3A to %parallel_loop3A_118 step %parallel_loop3A_119 iter_args(%parallel_loop3A_192 = %broadcast_in_dim3A_117, %parallel_loop3A_193 = %broadcast_in_dim3A_117, %parallel_loop3A_194 = %broadcast_in_dim3A_117, %parallel_loop3A_195 = %broadcast_in_dim3A_117) -> (vector<16xf32>, vector<16xf32>, vector<16xf32>, vector<16xf32>)  : i32 {
          %parallel_loop3A_196 = arith.constant 0 : i32
          %parallel_loop3A_197 = arith.addi %parallel_loop3A_191, %parallel_loop3A_196 : i32
          %parallel_loop3A_198 = arith.constant 16 : i32
          %parallel_loop3A_199 = arith.muli %parallel_loop3A_197, %parallel_loop3A_198 : i32
          %parallel_loop3A_200 = arith.index_cast %scan3A_116 : i32 to index
          %parallel_loop3A_201 = arith.index_cast %parallel_loop3A_199 : i32 to index
          %parallel_loop3A_202 = tpu.vector_load %arg5[%parallel_loop3A_200, %parallel_loop3A_201] {strides = array<i32>} : memref<4x4096xf32, #tpu.memory_space<vmem>>, vector<16xf32>,
          %parallel_loop3A_203 = tpu.memref_slice %arg5[%scan3A_116, %parallel_loop3A_199] : memref<4x4096xf32, #tpu.memory_space<vmem>> -> memref<1x16xf32, #tpu.memory_space<vmem>>
          %parallel_loop3A_204 = tpu.memref_squeeze %parallel_loop3A_203 : memref<1x16xf32, #tpu.memory_space<vmem>> -> memref<16xf32, #tpu.memory_space<vmem>>
          %parallel_loop3A_205 = tpu.vector_load_idx %parallel_loop3A_204[%xor3A_4] : memref<16xf32, #tpu.memory_space<vmem>>[vector<16xi32>], vector<16xf32>,
          %parallel_loop3A_206 = arith.mulf %parallel_loop3A_202, %parallel_loop3A_202 : vector<16xf32>
          %parallel_loop3A_207 = arith.mulf %parallel_loop3A_205, %parallel_loop3A_205 : vector<16xf32>
          %parallel_loop3A_208 = arith.addf %parallel_loop3A_206, %parallel_loop3A_207 : vector<16xf32>
          %parallel_loop3A_209 = arith.index_cast %parallel_loop3A_199 : i32 to index
          %parallel_loop3A_210 = tpu.vector_load %arg8[%parallel_loop3A_209] {strides = array<i32>} : memref<4096xf32, #tpu.memory_space<vmem>>, vector<16xf32>,
          tpu.vector_store %arg8[%parallel_loop3A_209], %parallel_loop3A_208 {strides = array<i32>} : memref<4096xf32, #tpu.memory_space<vmem>>, vector<16xf32>,
          %parallel_loop3A_211 = arith.addf %parallel_loop3A_192, %parallel_loop3A_206 : vector<16xf32>
          %parallel_loop3A_212 = arith.constant 1 : i32
          %parallel_loop3A_213 = arith.addi %parallel_loop3A_191, %parallel_loop3A_212 : i32
          %parallel_loop3A_214 = arith.constant 16 : i32
          %parallel_loop3A_215 = arith.muli %parallel_loop3A_213, %parallel_loop3A_214 : i32
          %parallel_loop3A_216 = arith.index_cast %scan3A_116 : i32 to index
          %parallel_loop3A_217 = arith.index_cast %parallel_loop3A_215 : i32 to index
          %parallel_loop3A_218 = tpu.vector_load %arg5[%parallel_loop3A_216, %parallel_loop3A_217] {strides = array<i32>} : memref<4x4096xf32, #tpu.memory_space<vmem>>, vector<16xf32>,
          %parallel_loop3A_219 = tpu.memref_slice %arg5[%scan3A_116, %parallel_loop3A_215] : memref<4x4096xf32, #tpu.memory_space<vmem>> -> memref<1x16xf32, #tpu.memory_space<vmem>>
          %parallel_loop3A_220 = tpu.memref_squeeze %parallel_loop3A_219 : memref<1x16xf32, #tpu.memory_space<vmem>> -> memref<16xf32, #tpu.memory_space<vmem>>
          %parallel_loop3A_221 = tpu.vector_load_idx %parallel_loop3A_220[%xor3A_4] : memref<16xf32, #tpu.memory_space<vmem>>[vector<16xi32>], vector<16xf32>,
          %parallel_loop3A_222 = arith.mulf %parallel_loop3A_218, %parallel_loop3A_218 : vector<16xf32>
          %parallel_loop3A_223 = arith.mulf %parallel_loop3A_221, %parallel_loop3A_221 : vector<16xf32>
          %parallel_loop3A_224 = arith.addf %parallel_loop3A_222, %parallel_loop3A_223 : vector<16xf32>
          %parallel_loop3A_225 = arith.index_cast %parallel_loop3A_215 : i32 to index
          %parallel_loop3A_226 = tpu.vector_load %arg8[%parallel_loop3A_225] {strides = array<i32>} : memref<4096xf32, #tpu.memory_space<vmem>>, vector<16xf32>,
          tpu.vector_store %arg8[%parallel_loop3A_225], %parallel_loop3A_224 {strides = array<i32>} : memref<4096xf32, #tpu.memory_space<vmem>>, vector<16xf32>,
          %parallel_loop3A_227 = arith.addf %parallel_loop3A_193, %parallel_loop3A_222 : vector<16xf32>
          %parallel_loop3A_228 = arith.constant 2 : i32
          %parallel_loop3A_229 = arith.addi %parallel_loop3A_191, %parallel_loop3A_228 : i32
          %parallel_loop3A_230 = arith.constant 16 : i32
          %parallel_loop3A_231 = arith.muli %parallel_loop3A_229, %parallel_loop3A_230 : i32
          %parallel_loop3A_232 = arith.index_cast %scan3A_116 : i32 to index
          %parallel_loop3A_233 = arith.index_cast %parallel_loop3A_231 : i32 to index
          %parallel_loop3A_234 = tpu.vector_load %arg5[%parallel_loop3A_232, %parallel_loop3A_233] {strides = array<i32>} : memref<4x4096xf32, #tpu.memory_space<vmem>>, vector<16xf32>,
          %parallel_loop3A_235 = tpu.memref_slice %arg5[%scan3A_116, %parallel_loop3A_231] : memref<4x4096xf32, #tpu.memory_space<vmem>> -> memref<1x16xf32, #tpu.memory_space<vmem>>
          %parallel_loop3A_236 = tpu.memref_squeeze %parallel_loop3A_235 : memref<1x16xf32, #tpu.memory_space<vmem>> -> memref<16xf32, #tpu.memory_space<vmem>>
          %parallel_loop3A_237 = tpu.vector_load_idx %parallel_loop3A_236[%xor3A_4] : memref<16xf32, #tpu.memory_space<vmem>>[vector<16xi32>], vector<16xf32>,
          %parallel_loop3A_238 = arith.mulf %parallel_loop3A_234, %parallel_loop3A_234 : vector<16xf32>
          %parallel_loop3A_239 = arith.mulf %parallel_loop3A_237, %parallel_loop3A_237 : vector<16xf32>
          %parallel_loop3A_240 = arith.addf %parallel_loop3A_238, %parallel_loop3A_239 : vector<16xf32>
          %parallel_loop3A_241 = arith.index_cast %parallel_loop3A_231 : i32 to index
          %parallel_loop3A_242 = tpu.vector_load %arg8[%parallel_loop3A_241] {strides = array<i32>} : memref<4096xf32, #tpu.memory_space<vmem>>, vector<16xf32>,
          tpu.vector_store %arg8[%parallel_loop3A_241], %parallel_loop3A_240 {strides = array<i32>} : memref<4096xf32, #tpu.memory_space<vmem>>, vector<16xf32>,
          %parallel_loop3A_243 = arith.addf %parallel_loop3A_194, %parallel_loop3A_238 : vector<16xf32>
          %parallel_loop3A_244 = arith.constant 3 : i32
          %parallel_loop3A_245 = arith.addi %parallel_loop3A_191, %parallel_loop3A_244 : i32
          %parallel_loop3A_246 = arith.constant 16 : i32
          %parallel_loop3A_247 = arith.muli %parallel_loop3A_245, %parallel_loop3A_246 : i32
          %parallel_loop3A_248 = arith.index_cast %scan3A_116 : i32 to index
          %parallel_loop3A_249 = arith.index_cast %parallel_loop3A_247 : i32 to index
          %parallel_loop3A_250 = tpu.vector_load %arg5[%parallel_loop3A_248, %parallel_loop3A_249] {strides = array<i32>} : memref<4x4096xf32, #tpu.memory_space<vmem>>, vector<16xf32>,
          %parallel_loop3A_251 = tpu.memref_slice %arg5[%scan3A_116, %parallel_loop3A_247] : memref<4x4096xf32, #tpu.memory_space<vmem>> -> memref<1x16xf32, #tpu.memory_space<vmem>>
          %parallel_loop3A_252 = tpu.memref_squeeze %parallel_loop3A_251 : memref<1x16xf32, #tpu.memory_space<vmem>> -> memref<16xf32, #tpu.memory_space<vmem>>
          %parallel_loop3A_253 = tpu.vector_load_idx %parallel_loop3A_252[%xor3A_4] : memref<16xf32, #tpu.memory_space<vmem>>[vector<16xi32>], vector<16xf32>,
          %parallel_loop3A_254 = arith.mulf %parallel_loop3A_250, %parallel_loop3A_250 : vector<16xf32>
          %parallel_loop3A_255 = arith.mulf %parallel_loop3A_253, %parallel_loop3A_253 : vector<16xf32>
          %parallel_loop3A_256 = arith.addf %parallel_loop3A_254, %parallel_loop3A_255 : vector<16xf32>
          %parallel_loop3A_257 = arith.index_cast %parallel_loop3A_247 : i32 to index
          %parallel_loop3A_258 = tpu.vector_load %arg8[%parallel_loop3A_257] {strides = array<i32>} : memref<4096xf32, #tpu.memory_space<vmem>>, vector<16xf32>,
          tpu.vector_store %arg8[%parallel_loop3A_257], %parallel_loop3A_256 {strides = array<i32>} : memref<4096xf32, #tpu.memory_space<vmem>>, vector<16xf32>,
          %parallel_loop3A_259 = arith.addf %parallel_loop3A_195, %parallel_loop3A_254 : vector<16xf32>
          scf.yield %parallel_loop3A_211, %parallel_loop3A_227, %parallel_loop3A_243, %parallel_loop3A_259 : vector<16xf32>, vector<16xf32>, vector<16xf32>, vector<16xf32>
        } {sc.loop_unroll_factor = 2 : i64, sc.parallel_access}
        %add3A_121 = arith.addf %parallel_loop3A_120#0, %parallel_loop3A_120#1 : vector<16xf32>
        %add3A_122 = arith.addf %parallel_loop3A_120#2, %parallel_loop3A_120#3 : vector<16xf32>
        %add3A_123 = arith.addf %add3A_121, %add3A_122 : vector<16xf32>
        %reduce_sum3A = arith.constant true
        %reduce_sum3A_124 = vector.broadcast %reduce_sum3A : i1 to vector<16xi1>
        %reduce_sum3A_125 = tpu.scan <sum>, %add3A_123 masked %reduce_sum3A_124 : vector<16xf32>, vector<16xi1> -> vector<16xf32>
        %reduce_sum3A_126 = vector.extract %reduce_sum3A_125[15] : f32 from vector<16xf32>
        %mul3A_127 = arith.constant 2.44140625E-4 : f32
        %mul3A_128 = arith.mulf %reduce_sum3A_126, %mul3A_127 : f32
        %broadcast_in_dim3A_129 = vector.broadcast %mul3A_128 : f32 to vector<16xf32>
        %bitcast3A = vector.bitcast %broadcast_in_dim3A_129 : vector<16xf32> to vector<16xi32>
        %shift_right_arithmetic3A = arith.constant 1 : i32
        %shift_right_arithmetic3A_130 = vector.broadcast %shift_right_arithmetic3A : i32 to vector<16xi32>
        %shift_right_arithmetic3A_131 = arith.shrsi %bitcast3A, %shift_right_arithmetic3A_130 : vector<16xi32>
        %sub3A = arith.constant 1597463007 : i32
        %sub3A_132 = vector.broadcast %sub3A : i32 to vector<16xi32>
        %sub3A_133 = arith.subi %sub3A_132, %shift_right_arithmetic3A_131 : vector<16xi32>
        %bitcast3A_134 = vector.bitcast %sub3A_133 : vector<16xi32> to vector<16xf32>
        %mul3A_135 = arith.constant 5.000000e-01 : f32
        %mul3A_136 = vector.broadcast %mul3A_135 : f32 to vector<16xf32>
        %mul3A_137 = arith.mulf %mul3A_136, %broadcast_in_dim3A_129 : vector<16xf32>
        %mul3A_138 = arith.mulf %mul3A_137, %bitcast3A_134 : vector<16xf32>
        %mul3A_139 = arith.mulf %mul3A_138, %bitcast3A_134 : vector<16xf32>
        %sub3A_140 = arith.constant 1.500000e+00 : f32
        %sub3A_141 = vector.broadcast %sub3A_140 : f32 to vector<16xf32>
        %sub3A_142 = arith.subf %sub3A_141, %mul3A_139 : vector<16xf32>
        %mul3A_143 = arith.mulf %bitcast3A_134, %sub3A_142 : vector<16xf32>
        %mul3A_144 = arith.constant 5.000000e-01 : f32
        %mul3A_145 = vector.broadcast %mul3A_144 : f32 to vector<16xf32>
        %mul3A_146 = arith.mulf %mul3A_145, %broadcast_in_dim3A_129 : vector<16xf32>
        %mul3A_147 = arith.mulf %mul3A_146, %mul3A_143 : vector<16xf32>
        %mul3A_148 = arith.mulf %mul3A_147, %mul3A_143 : vector<16xf32>
        %sub3A_149 = arith.constant 1.500000e+00 : f32
        %sub3A_150 = vector.broadcast %sub3A_149 : f32 to vector<16xf32>
        %sub3A_151 = arith.subf %sub3A_150, %mul3A_148 : vector<16xf32>
        %mul3A_152 = arith.mulf %mul3A_143, %sub3A_151 : vector<16xf32>
        %mul3A_153 = arith.constant 5.000000e-01 : f32
        %mul3A_154 = vector.broadcast %mul3A_153 : f32 to vector<16xf32>
        %mul3A_155 = arith.mulf %mul3A_154, %broadcast_in_dim3A_129 : vector<16xf32>
        %mul3A_156 = arith.mulf %mul3A_155, %mul3A_152 : vector<16xf32>
        %mul3A_157 = arith.mulf %mul3A_156, %mul3A_152 : vector<16xf32>
        %sub3A_158 = arith.constant 1.500000e+00 : f32
        %sub3A_159 = vector.broadcast %sub3A_158 : f32 to vector<16xf32>
        %sub3A_160 = arith.subf %sub3A_159, %mul3A_157 : vector<16xf32>
        %mul3A_161 = arith.mulf %mul3A_152, %sub3A_160 : vector<16xf32>
        %mul3A_162 = arith.constant 5.000000e-01 : f32
        %mul3A_163 = vector.broadcast %mul3A_162 : f32 to vector<16xf32>
        %mul3A_164 = arith.mulf %mul3A_163, %broadcast_in_dim3A_129 : vector<16xf32>
        %mul3A_165 = arith.mulf %mul3A_164, %mul3A_161 : vector<16xf32>
        %mul3A_166 = arith.mulf %mul3A_165, %mul3A_161 : vector<16xf32>
        %sub3A_167 = arith.constant 1.500000e+00 : f32
        %sub3A_168 = vector.broadcast %sub3A_167 : f32 to vector<16xf32>
        %sub3A_169 = arith.subf %sub3A_168, %mul3A_166 : vector<16xf32>
        %mul3A_170 = arith.mulf %mul3A_161, %sub3A_169 : vector<16xf32>
        %mul3A_171 = arith.mulf %broadcast_in_dim3A_129, %mul3A_170 : vector<16xf32>
        %mul3A_172 = arith.constant 2.51393056 : f32
        %mul3A_173 = vector.broadcast %mul3A_172 : f32 to vector<16xf32>
        %mul3A_174 = arith.mulf %mul3A_173, %mul3A_171 : vector<16xf32>
        %add3A_175 = arith.constant 9.99999993E-9 : f32
        %add3A_176 = vector.broadcast %add3A_175 : f32 to vector<16xf32>
        %add3A_177 = arith.addf %mul3A_174, %add3A_176 : vector<16xf32>
        %mul3A_178 = arith.constant 0.13333334 : f32
        %mul3A_179 = vector.broadcast %mul3A_178 : f32 to vector<16xf32>
        %mul3A_180 = arith.mulf %add3A_177, %mul3A_179 : vector<16xf32>
        %mul3A_181 = arith.constant 0.0666666701 : f32
        %mul3A_182 = vector.broadcast %mul3A_181 : f32 to vector<16xf32>
        %mul3A_183 = arith.mulf %add3A_177, %mul3A_182 : vector<16xf32>
        %div3A = arith.constant 1.000000e+00 : f32
        %div3A_184 = vector.broadcast %div3A : f32 to vector<16xf32>
        %div3A_185 = arith.divf %div3A_184, %mul3A_180 : vector<16xf32>
        %neg3A = arith.constant 0.000000e+00 : f32
        %neg3A_186 = vector.broadcast %neg3A : f32 to vector<16xf32>
        %neg3A_187 = arith.subf %neg3A_186, %add3A_177 : vector<16xf32>
        %parallel_loop3A_188 = arith.constant 0 : i32
        %parallel_loop3A_189 = arith.constant 256 : i32
        %parallel_loop3A_190 = arith.constant 1 : i32
        scf.for %parallel_loop3A_191 = %parallel_loop3A_188 to %parallel_loop3A_189 step %parallel_loop3A_190  : i32 {
          %parallel_loop3A_192 = arith.constant 16 : i32
          %parallel_loop3A_193 = arith.muli %parallel_loop3A_191, %parallel_loop3A_192 : i32
          %parallel_loop3A_194 = arith.index_cast %scan3A_116 : i32 to index
          %parallel_loop3A_195 = arith.index_cast %parallel_loop3A_193 : i32 to index
          %parallel_loop3A_196 = tpu.vector_load %arg5[%parallel_loop3A_194, %parallel_loop3A_195] {strides = array<i32>} : memref<4x4096xf32, #tpu.memory_space<vmem>>, vector<16xf32>,
          %parallel_loop3A_197 = arith.index_cast %parallel_loop3A_193 : i32 to index
          %parallel_loop3A_198 = tpu.vector_load %arg8[%parallel_loop3A_197] {strides = array<i32>} : memref<4096xf32, #tpu.memory_space<vmem>>, vector<16xf32>,
          %parallel_loop3A_199 = vector.bitcast %parallel_loop3A_198 : vector<16xf32> to vector<16xi32>
          %parallel_loop3A_200 = tpu.memref_slice %arg8[%parallel_loop3A_193] : memref<4096xf32, #tpu.memory_space<vmem>> -> memref<16xf32, #tpu.memory_space<vmem>>
          %parallel_loop3A_201 = tpu.vector_load_idx %parallel_loop3A_200[%xor3A_7] : memref<16xf32, #tpu.memory_space<vmem>>[vector<16xi32>], vector<16xf32>,
          %parallel_loop3A_202 = vector.bitcast %parallel_loop3A_201 : vector<16xf32> to vector<16xi32>
          %parallel_loop3A_203 = tpu.memref_slice %arg8[%parallel_loop3A_193] : memref<4096xf32, #tpu.memory_space<vmem>> -> memref<16xf32, #tpu.memory_space<vmem>>
          %parallel_loop3A_204 = tpu.vector_load_idx %parallel_loop3A_203[%xor3A_10] : memref<16xf32, #tpu.memory_space<vmem>>[vector<16xi32>], vector<16xf32>,
          %parallel_loop3A_205 = vector.bitcast %parallel_loop3A_204 : vector<16xf32> to vector<16xi32>
          %parallel_loop3A_206 = tpu.memref_slice %arg8[%parallel_loop3A_193] : memref<4096xf32, #tpu.memory_space<vmem>> -> memref<16xf32, #tpu.memory_space<vmem>>
          %parallel_loop3A_207 = tpu.vector_load_idx %parallel_loop3A_206[%xor3A_13] : memref<16xf32, #tpu.memory_space<vmem>>[vector<16xi32>], vector<16xf32>,
          %parallel_loop3A_208 = vector.bitcast %parallel_loop3A_207 : vector<16xf32> to vector<16xi32>
          %parallel_loop3A_209 = arith.subi %parallel_loop3A_202, %and3A_17 : vector<16xi32>
          %parallel_loop3A_210 = arith.subi %parallel_loop3A_205, %and3A_23 : vector<16xi32>
          %parallel_loop3A_211 = arith.subi %parallel_loop3A_208, %and3A_23 : vector<16xi32>
          %parallel_loop3A_212 = arith.minsi %parallel_loop3A_209, %parallel_loop3A_210 : vector<16xi32>
          %parallel_loop3A_213 = arith.maxsi %parallel_loop3A_209, %parallel_loop3A_210 : vector<16xi32>
          %parallel_loop3A_214 = arith.minsi %parallel_loop3A_213, %parallel_loop3A_211 : vector<16xi32>
          %parallel_loop3A_215 = arith.maxsi %parallel_loop3A_212, %parallel_loop3A_214 : vector<16xi32>
          %parallel_loop3A_216 = arith.cmpi slt, %parallel_loop3A_215, %parallel_loop3A_199 : vector<16xi32>
          %parallel_loop3A_217 = arith.maximumf %parallel_loop3A_196, %neg3A_187 : vector<16xf32>
          %parallel_loop3A_218 = arith.minimumf %parallel_loop3A_217, %add3A_177 : vector<16xf32>
          %parallel_loop3A_219 = arith.mulf %parallel_loop3A_218, %div3A_185 : vector<16xf32>
          %parallel_loop3A_220 = arith.constant 5.000000e-01 : f32
          %parallel_loop3A_221 = vector.broadcast %parallel_loop3A_220 : f32 to vector<16xf32>
          %parallel_loop3A_222 = arith.addf %parallel_loop3A_219, %parallel_loop3A_221 : vector<16xf32>
          %parallel_loop3A_223 = arith.constant 0x4B400000 : f32
          %parallel_loop3A_224 = vector.broadcast %parallel_loop3A_223 : f32 to vector<16xf32>
          %parallel_loop3A_225 = arith.addf %parallel_loop3A_222, %parallel_loop3A_224 : vector<16xf32>
          %parallel_loop3A_226 = arith.constant 0x4B400000 : f32
          %parallel_loop3A_227 = vector.broadcast %parallel_loop3A_226 : f32 to vector<16xf32>
          %parallel_loop3A_228 = arith.subf %parallel_loop3A_225, %parallel_loop3A_227 : vector<16xf32>
          %parallel_loop3A_229 = arith.mulf %parallel_loop3A_228, %mul3A_180 : vector<16xf32>
          %parallel_loop3A_230 = arith.subf %parallel_loop3A_229, %mul3A_183 : vector<16xf32>
          %parallel_loop3A_231 = arith.constant 0.000000e+00 : f32
          %parallel_loop3A_232 = vector.broadcast %parallel_loop3A_231 : f32 to vector<16xf32>
          %parallel_loop3A_233 = arith.select %parallel_loop3A_216, %parallel_loop3A_230, %parallel_loop3A_232 : vector<16xi1>, vector<16xf32>
          %parallel_loop3A_234 = arith.index_cast %scan3A_116 : i32 to index
          %parallel_loop3A_235 = arith.index_cast %parallel_loop3A_193 : i32 to index
          %parallel_loop3A_236 = tpu.vector_load %arg7[%parallel_loop3A_234, %parallel_loop3A_235] {strides = array<i32>} : memref<4x4096xf32, #tpu.memory_space<vmem>>, vector<16xf32>,
          tpu.vector_store %arg7[%parallel_loop3A_234, %parallel_loop3A_235], %parallel_loop3A_233 {strides = array<i32>} : memref<4x4096xf32, #tpu.memory_space<vmem>>, vector<16xf32>,
        } {sc.loop_unroll_factor = 8 : i64, sc.parallel_access}
      }
      %scan3A_103 = arith.constant 4 : i32
      %mul3A_104 = arith.constant 4 : i32
      %mul3A_105 = arith.muli %add3A_85, %mul3A_104 : i32
      %add3A_106 = arith.addi %mul3A_2, %mul3A_105 : i32
      %dma_start3A_107 = arith.constant 0 : i32
      %dma_start3A_108 = tpu.memref_slice %arg3[%add3A_106, %dma_start3A_107] : memref<8192x4096xf32, #tpu.memory_space<hbm>> -> memref<4x4096xf32, #tpu.memory_space<hbm>>
      %dma_start3A_109 = arith.constant 0 : i32
      %dma_start3A_110 = tpu.memref_slice %arg3[%add3A_106, %dma_start3A_109] : memref<8192x4096xf32, #tpu.memory_space<hbm>> -> memref<4x4096xf32, #tpu.memory_space<hbm>>
      tpu.enqueue_dma source(%arg7 : memref<4x4096xf32, #tpu.memory_space<vmem>>) target(%dma_start3A_110 : memref<4x4096xf32, #tpu.memory_space<hbm>>) target_semaphore(%arg12 : memref<!tpu.dma_semaphore, #tpu.memory_space<semaphore_mem>>)
      %le3A_111 = arith.constant 30 : i32
      %le3A_112 = arith.cmpi sle, %scan3A_51, %le3A_111 : i32
      %convert_element_type3A_113 = arith.extui %le3A_112 : i1 to i32
      %cond3A_114 = arith.constant 0 : i32
      %cond3A_115 = arith.cmpi ne, %convert_element_type3A_113, %cond3A_114 : i32
      scf.if %cond3A_115 {
        %add3A_116 = arith.constant 2 : i32
        %add3A_117 = arith.addi %add3A_85, %add3A_116 : i32
        %mul3A_118 = arith.constant 4 : i32
        %mul3A_119 = arith.muli %add3A_117, %mul3A_118 : i32
        %add3A_120 = arith.addi %mul3A_2, %mul3A_119 : i32
        %dma_start3A_121 = arith.constant 0 : i32
        %dma_start3A_122 = tpu.memref_slice %arg2[%add3A_120, %dma_start3A_121] : memref<8192x4096xf32, #tpu.memory_space<hbm>> -> memref<4x4096xf32, #tpu.memory_space<hbm>>
        %dma_start3A_123 = arith.constant 0 : i32
        %dma_start3A_124 = tpu.memref_slice %arg2[%add3A_120, %dma_start3A_123] : memref<8192x4096xf32, #tpu.memory_space<hbm>> -> memref<4x4096xf32, #tpu.memory_space<hbm>>
        tpu.enqueue_dma source(%dma_start3A_124 : memref<4x4096xf32, #tpu.memory_space<hbm>>) target(%arg5 : memref<4x4096xf32, #tpu.memory_space<vmem>>) target_semaphore(%arg10 : memref<!tpu.dma_semaphore, #tpu.memory_space<semaphore_mem>>)
      } else {
      }
    }
    %scan3A_39 = arith.constant 32 : i32
    %add3A_40 = arith.constant 248 : i32
    %add3A_41 = arith.addi %mul3A_2, %add3A_40 : i32
    %dma_wait3A = arith.constant 0 : i32
    %dma_wait3A_42 = tpu.memref_slice %arg3[%add3A_41, %dma_wait3A] : memref<8192x4096xf32, #tpu.memory_space<hbm>> -> memref<4x4096xf32, #tpu.memory_space<hbm>>
    %dma_wait3A_43 = arith.constant 0 : i32
    %dma_wait3A_44 = tpu.memref_slice %arg3[%add3A_41, %dma_wait3A_43] : memref<8192x4096xf32, #tpu.memory_space<hbm>> -> memref<4x4096xf32, #tpu.memory_space<hbm>>
    tpu.wait_dma2 semaphore(%arg11 : memref<!tpu.dma_semaphore, #tpu.memory_space<semaphore_mem>>) src(%arg6 : memref<4x4096xf32, #tpu.memory_space<vmem>>) dst(%dma_wait3A_44 : memref<4x4096xf32, #tpu.memory_space<hbm>>)
    %add3A_45 = arith.constant 252 : i32
    %add3A_46 = arith.addi %mul3A_2, %add3A_45 : i32
    %dma_wait3A_47 = arith.constant 0 : i32
    %dma_wait3A_48 = tpu.memref_slice %arg3[%add3A_46, %dma_wait3A_47] : memref<8192x4096xf32, #tpu.memory_space<hbm>> -> memref<4x4096xf32, #tpu.memory_space<hbm>>
    %dma_wait3A_49 = arith.constant 0 : i32
    %dma_wait3A_50 = tpu.memref_slice %arg3[%add3A_46, %dma_wait3A_49] : memref<8192x4096xf32, #tpu.memory_space<hbm>> -> memref<4x4096xf32, #tpu.memory_space<hbm>>
    tpu.wait_dma2 semaphore(%arg12 : memref<!tpu.dma_semaphore, #tpu.memory_space<semaphore_mem>>) src(%arg7 : memref<4x4096xf32, #tpu.memory_space<vmem>>) dst(%dma_wait3A_50 : memref<4x4096xf32, #tpu.memory_space<hbm>>)
    return
  }
}

</mosaic_0001>

<sc_bundles>
// kernel: _sc_quantize.3.cloned.1.call-start
scs
__scs_entry_jumppad:
0x0: {  	(pc) =	sbr.rel $0x88, $3  }
0x1: {  	(tag) =	ssettag $0x0;
	lr =	simm.s32 $0x1  }
0x2: {  	[smem:$0x3FA0] =	sst lr;
	_ =	strace $0xD0000000  }
0x3: {  	_ = 	snop  }
0x4: {  	_ = 	snop  }
0x5: {  	_ = 	snop  }
0x6: {  	_ = 	snop  }
0x7: {  	_ = 	snop  }
__scs_overlays_trampoline_lowered:
0x8: {  	[smem:$0x3FAF] =	sst s0  }
0x9: {  	[smem:$0x3FB0] =	sst s1  }
0xa: {  	[smem:$0x3FB1] =	sst s2  }
0xb: {  	[smem:$0x3FB2] =	sst s3  }
0xc: {  	[smem:$0x3FB3] =	sst s4  }
0xd: {  	[smem:$0x3FB4] =	sst s5  }
0xe: {  	[smem:$0x3FB5] =	sst s6  }
0xf: {  	[smem:$0x3FB6] =	sst s7  }
0x10: {  	[smem:$0x3FB7] =	sst s8  }
0x11: {  	[smem:$0x3FB8] =	sst s9;
	s0 =	simm.s32 @!p0 $0x0  }
0x12: {  	s1 =	sld [smem:$0x3F9E];
	s0 =	simm.s32 @p0 $0x1  }
0x13: {  	[smem:$0x3FB9] =	sst s0;
	s0 =	simm.s32 @!p1 $0x0  }
0x14: {  	s2 =	sld [smem:$0x3F9D];
	s0 =	simm.s32 @p1 $0x1  }
0x15: {  	[smem:$0x3FBA] =	sst s0;
	s0 =	simm.s32 @!p2 $0x0  }
0x16: {  	s3 =	sld [smem:$0x3FDB];
	s0 =	simm.s32 @p2 $0x1  }
0x17: {  	s4 =	simm.s32 $0x1BF5;
	[smem:$0x3FBC] =	sst s0  }
0x18: {  	s0 =	sld [smem:$0x3F9F];
	_ =	swait.ge [sflag:s4], $0x0  }
0x19: {  	s7 =	sld [smem:$0x3FA0]  }
0x1a: {  	s8 =	sadd.s32 $0xFFFFE003, lr  }
0x1b: {  	s9 =	sadd.s32 $0xFFFFFEF7, lr;
	s5 =	simm.s32 $0xFFFFFFFF;
	p2 =	slt.u32 s8, $0xFFFFF086  }
0x1c: {  	p1 =	slt.u32 s9, $0xF7A;
	s5 =	simm.s32 @!p2 $0x0  }
0x1d: {  	s5 =	simm.s32 @p1 $0x1;
	p0 =	seq.s32 s7, s2  }
0x1e: {  	s7 =	smul.u32 @!p0 $0xF7A, s2;
	p2 =	seq.s32 @!p0 s5, $0x0  }
0x1f: {  	s9 =	smul.u32 $0xF7A, s1;
	s8 =	simm.s32 @!p0 $0x1BF5;
	p2 =	por !p2, p0  }
0x20: {  	[sflag:s8] =	ssyncset.s32 @!p0 $0xFFFFF086;
	s6 =	sadd.s32 @!p0 s3, s7;
	s7 =	simm.s32 @!p0 $0x108  }
0x21: {  	s3 =	sadd.s32 s3, s9;
	s6 =	sadd.s32 @!p0 $0x88, s6;
	s7 =	simm.s32 @p2 $0x1082  }
0x22: {  	[simem:s7], [sflag:s8] =	dma.local @!p0 [hbm:s6], $0xF7A  }
0x23: {  	s9 =	sor.u32 $0xD0000000, s2;
	s6 =	simm.s32 $0x108;
	_ =	swait.ge @!p0 [sflag:s8], $0x0  }
0x24: {  	s3 =	sadd.s32 $0x88, s3;
	s6 =	simm.s32 @!p1 $0x1082;
	[sflag:s4] =	ssyncset.s32 $0xFFFFF086  }
0x25: {  	[simem:s6], [sflag:s4] =	dma.local [hbm:s3], $0xF7A  }
0x26: {  	[smem:$0x3FA0] =	sst s1;
	(tag) =	ssettag s2;
	_ =	strace s9  }
0x27: {  	s1 =	sld [smem:$0x3FB0]  }
0x28: {  	s2 =	sld [smem:$0x3FB1]  }
0x29: {  	s4 =	sld [smem:$0x3FB3]  }
0x2a: {  	p0 =	seq.s32 s5, $0x0;
	s5 =	sld [smem:$0x3FB4]  }
0x2b: {  	s6 =	sld [smem:$0x3FB5]  }
0x2c: {  	s7 =	sld [smem:$0x3FB6]  }
0x2d: {  	s3 =	simm.s32 $0x108;
	s8 =	sld [smem:$0x3FB7]  }
0x2e: {  	s3 =	simm.s32 @!p0 $0x1082;
	s9 =	sld [smem:$0x3FB8]  }
0x2f: {  	lr =	sadd.s32 s0, s3;
	s0 =	sld [smem:$0x3FAF]  }
0x30: {  	s3 =	sld [smem:$0x3FB2]  }
0x31: {  	[smem:$0x3FBB] =	sst s10  }
0x32: {  	s10 =	sld [smem:$0x3FB9];
	_ =	sdelay $0x3  }
0x33: {  	p0 =	seq.s32 s10, $0x1;
	s10 =	sld [smem:$0x3FBB];
	_ =	sdelay $0x3  }
0x34: {  	[smem:$0x3FBB] =	sst s10  }
0x35: {  	s10 =	sld [smem:$0x3FBA];
	_ =	sdelay $0x3  }
0x36: {  	p1 =	seq.s32 s10, $0x1;
	s10 =	sld [smem:$0x3FBB];
	_ =	sdelay $0x3  }
0x37: {  	[smem:$0x3FBB] =	sst s10  }
0x38: {  	s10 =	sld [smem:$0x3FBC]  }
0x39: {  	_ = 	snop;
	(pc) =	sbr.ind lr, $3  }
0x3a: {  	_ = 	snop  }
0x3b: {  	_ = 	snop  }
0x3c: {  	p2 =	seq.s32 s10, $0x1;
	s10 =	sld [smem:$0x3FBB]  }
0x3d: {  	_ =	shalt  }
0x3e: {  	_ =	shalt  }
0x3f: {  	_ =	shalt  }
0x40: {  	_ =	shalt  }
0x41: {  	_ =	shalt  }
0x42: {  	_ =	shalt  }
0x43: {  	_ =	shalt  }
0x44: {  	_ =	shalt  }
0x45: {  	_ =	shalt  }
0x46: {  	_ =	shalt  }
0x47: {  	_ =	shalt  }
0x48: {  	_ =	shalt  }
0x49: {  	_ =	shalt  }
0x4a: {  	_ =	shalt  }
0x4b: {  	_ =	shalt  }
0x4c: {  	_ =	shalt  }
0x4d: {  	_ =	shalt  }
0x4e: {  	_ =	shalt  }
0x4f: {  	_ =	shalt  }
0x50: {  	_ =	shalt  }
0x51: {  	_ =	shalt  }
0x52: {  	_ =	shalt  }
0x53: {  	_ =	shalt  }
0x54: {  	_ =	shalt  }
0x55: {  	_ =	shalt  }
0x56: {  	_ =	shalt  }
0x57: {  	_ =	shalt  }
0x58: {  	_ =	shalt  }
0x59: {  	_ =	shalt  }
0x5a: {  	_ =	shalt  }
0x5b: {  	_ =	shalt  }
0x5c: {  	_ =	shalt  }
0x5d: {  	_ =	shalt  }
0x5e: {  	_ =	shalt  }
0x5f: {  	_ =	shalt  }
0x60: {  	_ =	shalt  }
0x61: {  	_ =	shalt  }
0x62: {  	_ =	shalt  }
0x63: {  	_ =	shalt  }
0x64: {  	_ =	shalt  }
0x65: {  	_ =	shalt  }
0x66: {  	_ =	shalt  }
0x67: {  	_ =	shalt  }
0x68: {  	_ =	shalt  }
0x69: {  	_ =	shalt  }
0x6a: {  	_ =	shalt  }
0x6b: {  	_ =	shalt  }
0x6c: {  	_ =	shalt  }
0x6d: {  	_ =	shalt  }
0x6e: {  	_ =	shalt  }
0x6f: {  	_ =	shalt  }
0x70: {  	_ =	shalt  }
0x71: {  	_ =	shalt  }
0x72: {  	_ =	shalt  }
0x73: {  	_ =	shalt  }
0x74: {  	_ =	shalt  }
0x75: {  	_ =	shalt  }
0x76: {  	_ =	shalt  }
0x77: {  	_ =	shalt  }
0x78: {  	_ =	shalt  }
0x79: {  	_ =	shalt  }
0x7a: {  	_ =	shalt  }
0x7b: {  	_ =	shalt  }
0x7c: {  	_ =	shalt  }
0x7d: {  	_ =	shalt  }
0x7e: {  	_ =	shalt  }
0x7f: {  	_ =	shalt  }
0x80: {  	_ =	shalt  }
0x81: {  	_ =	shalt  }
0x82: {  	_ =	shalt  }
0x83: {  	_ =	shalt  }
0x84: {  	_ =	shalt  }
0x85: {  	_ =	shalt  }
0x86: {  	_ =	shalt  }
0x87: {  	_ =	shalt  }
.Lfunc_end0:
.L_simem_size_0:
called_computation_lowered:
.L_overlay_start_0:
0x88: {  	s2 =	sld [smem:$0x3FD9]  }
0x89: {  	s3 =	sld [smem:$0x3FFE];
	_ =	sdelay $0x1  }
0x8a: {  	s1 =	srdreg.scid  }
0x8b: {  	s0 =	sand.u32 $0x1, s1  }
0x8c: {  	s18 =	sshll.u32 s0, $0xA;
	s2 =	sadd.s32 s3, s2  }
0x8d: {  	s2 =	sadd.s32 s2, s18  }
0x8e: {  	[smem:$0x3FC7] =	sst s2  }
0x8f: {  	_ = 	snop  }
0x90: {  	s2 =	sld [smem:$0x3FC9]  }
0x91: {  	s19 =	sld [smem:$0x3FD0];
	(tm) =	ssettm $0x1  }
0x92: {  	s4 =	sld [smem:$0x3FFB];
	_ =	sdelay $0x3  }
0x93: {  	_ =	strace s4  }
0x94: {  	s4 =	sld [smem:$0x3FFC];
	_ =	sdelay $0x3  }
0x95: {  	_ =	strace s4  }
0x96: {  	s4 =	sld [smem:$0x3FFD];
	_ =	sdelay $0x3  }
0x97: {  	_ =	strace s4  }
0x98: {  	_ =	strace $0x8FFFFFFF  }
0x99: {  	s20 =	sld [smem:$0x3FDB];
	_ =	sdelay $0x1  }
0x9a: {  	s5 =	simm.s32 $_scs_section_size  }
0x9b: {  	s6 =	simm.s32 $_size__tile_overlayer_lowered;
	s7 =	simm.s32 $_tile_overlayer_lowered  }
0x9c: {  	s23 =	simm.s32 $0x1BFF;
	s22 =	sshll.u32 s7, $0x1;
	s4 =	sadd.s32 s5, s20  }
0x9d: {  	s8 =	simm.s32 $0x0;
	s21 =	sshll.u32 s6, $0x1;
	s6 =	sadd.s32 s22, s4  }
0x9e: {  	[timem:s8], [sflag:s23] =	dma.local [hbm:s6], s21  }
0x9f: {  	_ =	swait.ge [sflag:s23], s21  }
0xa0: {  	s5 =	ssub.s32 $0x0, s21;
	[sflag:s23] =	ssyncset.done $0x0  }
0xa1: {  	[sflag:s23] =	ssyncadd.s32 s5;
	_ =	sdelay $0x1  }
0xa2: {  	s24 =	simm.s32 $0x1B8B  }
0xa3: {  	_ =	swait.ge [sflag:s24], $0x1  }
0xa4: {  	[sflag:s24] =	ssyncset.done $0x0  }
0xa5: {  	s25 =	simm.s32 $0x1B8E;
	[sflag:s24] =	ssyncadd.s32 $0xFFFFFFFF  }
0xa6: {  	s26 =	simm.s32 $execute0_lowered;
	[smem:$0x3FD2] =	sst s25  }
0xa7: {  	s5 =	sshll.u32 s26, $0x1;
	_ =	strace $0x80000046;
	[dreg:$0x1] =	wrdreg $0xFFFFFFFF  }
0xa8: {  	s28 =	simm.s32 $_size_execute0_lowered;
	s4 =	sadd.s32 s4, s5;
	[dreg:$0x0] =	wrdreg $0x0  }
0xa9: {  	s5 =	sshll.u32 s28, $0x1;
	[dreg:$0x2] =	wrdreg s4  }
0xaa: {  	[dreg:$0x3] =	wrdreg s5  }
0xab: {  	[dreg:$0x4] =	wrdreg $0xC0  }
0xac: {  	_ =	task [dreg:s8], $0x5FFFF  }
0xad: {  	[dreg:$0x1] =	wrdreg $0xFFFFFFFF  }
0xae: {  	[dreg:$0x0] =	wrdreg $0x60  }
0xaf: {  	[dreg:$0x2] =	wrdreg s2  }
0xb0: {  	[dreg:$0x3] =	wrdreg s19  }
0xb1: {  	[dreg:$0x4] =	wrdreg $0x9  }
0xb2: {  	_ =	task.clear_ibuf [dreg:s8], $0x5FFFF;
	_ =	strace $0x90000046  }
0xb3: {  	s29 =	simm.s32 $0x9;
	_ =	strace $0x80000048  }
0xb4: {  	_ =	swait.ge [sflag:s29], $0x1  }
0xb5: {  	[sflag:s29] =	ssyncadd.s32 $0xFFFFFFFF  }
0xb6: {  	_ =	strace $0x90000048  }
0xb7: {  	_ =	sfence  }
0xb8: {  	s30 =	sld [smem:$0x0];
	_ =	sdelay $0x2  }
0xb9: {  	s31 =	sshll.u32 s1, $0xD;
	s1 =	sshrl.u32 s1, $0x2  }
0xba: {  	s3 =	sand.u32 $0x4000, s31;
	s1 =	sadd.s32 s1, s30  }
0xbb: {  	s0 =	sor.u32 s3, s0;
	s1 =	sshll.u32 s1, $0x11  }
0xbc: {  	s0 =	sor.u32 s1, s0  }
0xbd: {  	s0 =	sadd.s32 $0x8F2B, s0  }
0xbe: {  	[sflag:s0] =	ssyncadd.remote.s32 $0x1  }
0xbf: {  	_ =	sfence.sel $0xFFFF  }
0xc0: {  	[dreg:$0x0] =	wrdreg $0xFFFFFFFF;
	(pc) =	sbr.abs _section_cstart, $3  }
0xc1: {  	[dreg:$0x1] =	wrdreg $0xFFFFFFFF  }
0xc2: {  	_ =	task.clear_ibuf [dreg:s8], $0x2FFFF;
	_ =	strace $0x9FFFFFFF  }
0xc3: {  	(tm) =	ssettm $0x7FFFFFFF  }
tec
execute0_lowered:
.L_overlay_start_1:
0x0: {  	(tag) =	ssettag $0x1  }
0x1: {  	v0 =	vimm.s32 $0xEFCDAB89;
	s0 =	rddreg [dreg:$0x0];
	v1 =	vimm.s32 $0x67452301;
	v2 =	vimm.s32 $0xDCFE98BA  }
0x2: {  	s2 =	rddreg [dreg:$0x1];
	v3 =	vimm.s32 $0x54761032;
	s1 =	srdreg.scid;
	v4 =	vimm.s32 $0xBA98FEDC;
	v5 =	vimm.s32 $0x32107654  }
0x3: {  	s4 =	simm.s32 $0x0;
	s5 =	stileid.u32;
	v6 =	vimm.s32 $0x98BADCFE;
	s12 =	simm.s32 $0x200;
	v0 =	vunpack.c.l.s4.s8 v0;
	v1 =	vunpack.c.l.s4.s8 v1  }
0x4: {  	v7 =	vimm.s32 $0x10325476;
	s13 =	simm.s32 $0x400;
	s14 =	simm.s32 $0x4000;
	s15 =	simm.s32 $0x1;
	v2 =	vunpack.c.l.s4.s8 v2;
	v3 =	vunpack.c.l.s4.s8 v3  }
0x5: {  	s16 =	simm.s32 $0x8000;
	s17 =	simm.s32 $0x2;
	s18 =	simm.s32 $0x4;
	v4 =	vunpack.c.l.s4.s8 v4;
	v0 =	vunpack.c.0.s8.s32 v0;
	v1 =	vunpack.c.0.s8.s32 v1  }
0x6: {  	s19 =	simm.s32 $0xC000;
	s1 =	sand.u32 $0x1, s1;
	[smem:$0x7FF] =	sst s4;
	v5 =	vunpack.c.l.s4.s8 v5;
	v2 =	vunpack.c.0.s8.s32 v2;
	v3 =	vunpack.c.0.s8.s32 v3  }
0x7: {  	s5 =	sshll.u32 s5, $0x8;
	s3 =	sshll.u32 s1, $0xC;
	s1 =	ssub.s32 $0x2, s1;
	v0 =	vcombine.low v1, v0;
	v1 =	vunpack.c.l.s4.s8 v6;
	v6 =	vunpack.c.l.s4.s8 v7  }
0x8: {  	_ =	strace $0x80000047;
	s3 =	sor.u32 s5, s3;
	s6 =	sshrl.u32 s1, $0x1;
	v2 =	vcombine.low v3, v2;
	v3 =	vunpack.c.0.s8.s32 v4;
	v4 =	vunpack.c.0.s8.s32 v5  }
.Ltmp0:
0x9: {  	s5 =	sadd.s32 $0x40, s0;
	s7 =	sshll.u32 s3, $0x9;
	v0 =	vand.u32 $0xF, v0;
	v5 =	vunpack.c.0.s8.s32 v1;
	v6 =	vunpack.c.0.s8.s32 v6;
	(pc) =	sbr.rel .LBB2_1-.Ltmp0, $4  }
0xa: {  	s1 =	ssub.s32 s1, s6;
	s8 =	sshrl.u32 s3, $0x3;
	s29 =	sadd.s32 s0, s7;
	v1 =	vand.u32 $0xF, v2;
	v2 =	vcombine.low v4, v3;
	v3 =	vlaneseq.u32  }
0xb: {  	s9 =	sor.u32 $0x8, s3;
	s30 =	sadd.s32 s7, s5;
	[dreg:$0x3] =	wrdreg s29;
	v4 =	vcombine.low v6, v5;
	v5 =	vshrl.u32 v3, $0x1;
	v3 =	vshrl.u32 v3, $0x2  }
0xc: {  	s31 =	sadd.s32 s7, s2;
	s1 =	smax.u32 s1, $0x1;
	[dreg:$0x4] =	wrdreg s30;
	v2 =	vand.u32 $0xF, v2;
	v5 =	vand.u32 $0x1, v5;
	v6 =	vand.u32 $0x1, v3  }
0xd: {  	s3 =	simm.s32 $0x0;
	s10 =	sadd.s32 $0x40, s31;
	[dreg:$0x5] =	wrdreg s1;
	v3 =	vand.u32 $0xF, v4;
	v4 =	vmul.u32 $0xFFFFFFFF, v5;
	v5 =	vmul.u32 $0xFFFFFFFF, v6  }
.LBB2_20:
0xe: {  	s1 =	simm.s32 $0x3  }
0xf: {  	_ =	swait.ge [sflag:s1], $0x4000  }
0x10: {  	[sflag:s1] =	ssyncset.done $0x0  }
0x11: {  	[sflag:s1] =	ssyncadd.s32 $0xFFFFC000  }
0x12: {  	_ =	swait.ge [sflag:s18], $0x4000  }
0x13: {  	s3 =	rddreg [dreg:$0x6]  }
0x14: {  	s31 =	rddreg [dreg:$0x5];
	s3 =	sadd.s32 $0x1, s3  }
0x15: {  	p0 =	sne.s32 s3, s31  }
.Ltmp1:
0x16: {  	_ = 	snop;
	(pc) =	sbr.rel @!p0 .LBB2_21-.Ltmp1, $3  }
0x17: {  	_ =	sdelay $0x1  }
0x18: {  	[sflag:s18] =	ssyncset.done $0x0  }
0x19: {  	[sflag:s18] =	ssyncadd.s32 $0xFFFFC000  }
.LBB2_1:
0x1a: {  	[dreg:$0x6] =	wrdreg s3  }
0x1b: {  	s1 =	rddreg [dreg:$0x3]  }
0x1c: {  	[tilespmem:s4], [sflag:$0x1] =	stream.strided.gather [hbm4b:s1+s12], $0x4000, s13, s12, $0x38;
	[tilespmem:$0x11000] =	vst v63  }
0x1d: {  	s31 =	rddreg [dreg:$0x4];
	s22 =	simm.s32 $0x0  }
0x1e: {  	[tilespmem:s14], [sflag:$0x2] =	stream.strided.gather [hbm4b:s31+s12], $0x4000, s13, s12, $0x38;
	[tilespmem:$0x11000] =	vst v63  }
.LBB2_2:
0x1f: {  	_ =	swait.ge [sflag:s15], $0x4000  }
0x20: {  	p0 =	seq.s32 s22, $0x0;
	[sflag:s15] =	ssyncset.done $0x0  }
0x21: {  	s1 =	simm.s32 @!p0 $0x3;
	[sflag:s15] =	ssyncadd.s32 $0xFFFFC000  }
0x22: {  	s23 =	sshll.u32 s22, $0x3;
	s24 =	sadd.s32 s8, s22;
	_ =	swait.ge @!p0 [sflag:s1], $0x4000  }
0x23: {  	s25 =	simm.s32 $0x0;
	s26 =	simm.s32 $0x70;
	[sflag:s1] =	ssyncset.done @!p0 $0x0  }
0x24: {  	s28 =	simm.s32 $0x40;
	s29 =	simm.s32 $0x8040;
	[sflag:s1] =	ssyncadd.s32 @!p0 $0xFFFFC000  }
.LBB2_3:
0x25: {  	_ =	sdelay $0x2  }
0x26: {  	v6 =	vld [tilespmem:s26+$0xFFFFFF90]  }
0x27: {  	v7 =	vld.idx.msk [tilespmem:v0+s26+$0xFFFFFF90], $0xffff  }
0x28: {  	v8 =	vld [tilespmem:s26+$0xFFFFFFD0]  }
0x29: {  	v9 =	vld.idx.msk [tilespmem:v0+s26+$0xFFFFFFD0], $0xffff;
	_ =	sdelay $0x2  }
0x2a: {  	v14 =	vmul.f32 v6, v6;
	v6 =	vmul.f32 v7, v7;
	_ =	sdelay $0x1  }
0x2b: {  	v15 =	vmul.f32 v8, v8;
	v7 =	vmul.f32 v9, v9;
	v6 =	vadd.f32 v6, v14  }
0x2c: {  	s30 =	simm.s32 $0x10040  }
0x2d: {  	v7 =	vadd.f32 v7, v15;
	[tilespmem:s30+$0xFFFFFFC0] =	vst v6  }
0x2e: {  	v6 =	vld.idx.msk [tilespmem:v0+s26+$0xFFFFFFA0], $0xffff  }
0x2f: {  	[tilespmem:s30+$0x0] =	vst v7;
	v8 =	vld [tilespmem:s26+$0xFFFFFFA0]  }
0x30: {  	v7 =	vld.idx.msk [tilespmem:v0+s26+$0xFFFFFFE0], $0xffff  }
0x31: {  	s1 =	sadd.s32 $0x200, s26;
	v9 =	vld [tilespmem:s26+$0xFFFFFFE0]  }
0x32: {  	v10 =	vld [tilespmem:s1+$0xFFFFFF90]  }
0x33: {  	v11 =	vld.idx.msk [tilespmem:v0+s1+$0xFFFFFF90], $0xffff  }
0x34: {  	v12 =	vld [tilespmem:s1+$0xFFFFFFD0];
	v8 =	vmul.f32 v8, v8;
	v6 =	vmul.f32 v6, v6  }
0x35: {  	v13 =	vld.idx.msk [tilespmem:v0+s1+$0xFFFFFFD0], $0xffff  }
0x36: {  	s3 =	sadd.s32 $0x200, s1;
	v16 =	vmul.f32 v9, v9;
	v7 =	vmul.f32 v7, v7;
	v6 =	vadd.f32 v6, v8  }
0x37: {  	v17 =	vld [tilespmem:s3+$0xFFFFFF90]  }
0x38: {  	v19 =	vld [tilespmem:s3+$0xFFFFFFD0];
	v9 =	vmul.f32 v10, v10;
	v10 =	vmul.f32 v11, v11;
	[tilespmem:s30+$0xFFFFFFD0] =	vst v6;
	v6 =	vadd.f32 v7, v16  }
0x39: {  	v11 =	vld.idx.msk [tilespmem:v0+s26+$0xFFFFFFB0], $0xffff  }
0x3a: {  	v10 =	vadd.f32 v10, v9;
	v7 =	vmul.f32 v12, v12;
	v18 =	vld [tilespmem:s26+$0xFFFFFFB0];
	[tilespmem:s30+$0x10] =	vst v6;
	v6 =	vmul.f32 v13, v13  }
0x3b: {  	s31 =	simm.s32 $0x100C0;
	v12 =	vld.idx.msk [tilespmem:v0+s26+$0xFFFFFFF0], $0xffff  }
0x3c: {  	[tilespmem:s31+$0xFFFFFFC0] =	vst v10;
	v13 =	vld [tilespmem:s26+$0xFFFFFFF0];
	v6 =	vadd.f32 v6, v7  }
0x3d: {  	v10 =	vld.idx.msk [tilespmem:v0+s1+$0xFFFFFFA0], $0xffff  }
0x3e: {  	v20 =	vld [tilespmem:s1+$0xFFFFFFA0];
	[tilespmem:s31+$0x0] =	vst v6  }
0x3f: {  	v21 =	vmul.f32 v18, v18;
	v6 =	vmul.f32 v11, v11;
	v11 =	vld.idx.msk [tilespmem:v0+s1+$0xFFFFFFE0], $0xffff  }
0x40: {  	v22 =	vld [tilespmem:s1+$0xFFFFFFE0]  }
0x41: {  	v26 =	vld.idx.msk [tilespmem:v0+s3+$0xFFFFFF90], $0xffff;
	v6 =	vadd.f32 v6, v21;
	v23 =	vmul.f32 v13, v13;
	v12 =	vmul.f32 v12, v12  }
0x42: {  	v27 =	vld.idx.msk [tilespmem:v0+s3+$0xFFFFFFD0], $0xffff;
	s6 =	sadd.s32 $0x200, s3  }
0x43: {  	v25 =	vld [tilespmem:s6+$0xFFFFFFD0];
	v10 =	vmul.f32 v10, v10;
	v13 =	vmul.f32 v20, v20;
	[tilespmem:s30+$0xFFFFFFE0] =	vst v6;
	v6 =	vadd.f32 v12, v23  }
0x44: {  	v24 =	vld.idx.msk [tilespmem:v0+s6+$0xFFFFFF90], $0xffff  }
0x45: {  	v18 =	vld [tilespmem:s6+$0xFFFFFF90];
	[tilespmem:s30+$0x20] =	vst v6;
	v6 =	vadd.f32 v10, v13;
	v12 =	vmul.f32 v22, v22;
	v10 =	vmul.f32 v11, v11  }
0x46: {  	v20 =	vld [tilespmem:s26+$0xFFFFFFC0]  }
0x47: {  	v22 =	vld [tilespmem:s26+$0x0];
	[tilespmem:s31+$0xFFFFFFD0] =	vst v6;
	v6 =	vadd.f32 v10, v12  }
0x48: {  	v10 =	vmul.f32 v17, v17;
	v17 =	vmul.f32 v26, v26;
	v28 =	vld.idx.msk [tilespmem:v0+s1+$0xFFFFFFB0], $0xffff  }
0x49: {  	v11 =	vmul.f32 v19, v19;
	v29 =	vld [tilespmem:s1+$0xFFFFFFB0];
	[tilespmem:s31+$0x10] =	vst v6  }
0x4a: {  	v19 =	vimm.f32 $0.0e+00;
	v6 =	vmul.f32 v27, v27;
	v17 =	vadd.f32 v17, v10;
	v27 =	vld.idx.msk [tilespmem:v0+s1+$0xFFFFFFF0], $0xffff  }
0x4b: {  	s11 =	simm.s32 $0x10140;
	v14 =	vadd.f32 v14, v19;
	v30 =	vld [tilespmem:s1+$0xFFFFFFF0]  }
0x4c: {  	v26 =	vld.idx.msk [tilespmem:v0+s6+$0xFFFFFFD0], $0xffff;
	v31 =	vadd.f32 v6, v11;
	[tilespmem:s11+$0xFFFFFFC0] =	vst v17;
	v6 =	vmul.f32 v20, v20  }
0x4d: {  	v21 =	vadd.f32 v21, v19;
	v17 =	vadd.f32 v8, v19;
	v32 =	vld.idx.msk [tilespmem:v0+s3+$0xFFFFFFA0], $0xffff  }
0x4e: {  	v33 =	vld [tilespmem:s3+$0xFFFFFFA0];
	[tilespmem:s11+$0x0] =	vst v31;
	v20 =	vmul.f32 v29, v29;
	v31 =	vmul.f32 v28, v28;
	v34 =	vadd.f32 v6, v19  }
0x4f: {  	v19 =	vadd.f32 v15, v14;
	v16 =	vadd.f32 v16, v17;
	v28 =	vld.idx.msk [tilespmem:v0+s3+$0xFFFFFFE0], $0xffff  }
0x50: {  	v29 =	vld [tilespmem:s3+$0xFFFFFFE0];
	v14 =	vadd.f32 v31, v20;
	v17 =	vmul.f32 v30, v30;
	v27 =	vmul.f32 v27, v27  }
0x51: {  	v8 =	vmul.f32 v22, v22;
	v15 =	vld.idx.msk [tilespmem:v0+s26+$0xFFFFFFC0], $0xffff  }
0x52: {  	v22 =	vadd.f32 v23, v21;
	[tilespmem:s31+$0xFFFFFFE0] =	vst v14;
	v14 =	vld.idx.msk [tilespmem:v0+s26+$0x0], $0xffff;
	v30 =	vadd.f32 v27, v17  }
0x53: {  	s20 =	simm.s32 $0x18;
	s7 =	simm.s32 $0x10140;
	s21 =	sadd.s32 $0x200, s6;
	v21 =	vadd.f32 v8, v34;
	v23 =	vmul.f32 v33, v33;
	v31 =	vmul.f32 v32, v32;
	v27 =	vld [tilespmem:s1+$0xFFFFFFC0]  }
.LBB2_4:
0x54: {  	v32 =	vmul.f32 v18, v18;
	v18 =	vld [tilespmem:s21+$0xFFFFFF90];
	v33 =	vmul.f32 v25, v25;
	[tilespmem:s31+$0x20] =	vst v30  }
0x55: {  	v28 =	vmul.f32 v28, v28;
	v30 =	vadd.f32 v31, v23;
	v29 =	vmul.f32 v29, v29;
	v31 =	vld [tilespmem:s1+$0x0]  }
0x56: {  	v34 =	vmul.f32 v24, v24;
	v26 =	vmul.f32 v26, v26;
	v25 =	vld [tilespmem:s21+$0xFFFFFFD0]  }
0x57: {  	v15 =	vmul.f32 v15, v15;
	v24 =	vld.idx.msk [tilespmem:v0+s21+$0xFFFFFF90], $0xffff;
	[tilespmem:s11+$0xFFFFFFD0] =	vst v30;
	v28 =	vadd.f32 v28, v29  }
0x58: {  	v30 =	vadd.f32 v34, v32;
	v34 =	vadd.f32 v26, v33;
	v35 =	vld.idx.msk [tilespmem:v0+s3+$0xFFFFFFB0], $0xffff;
	v27 =	vmul.f32 v27, v27  }
0x59: {  	v13 =	vadd.f32 v13, v16;
	v26 =	vadd.f32 v9, v19;
	v14 =	vmul.f32 v14, v14;
	v36 =	vld [tilespmem:s3+$0xFFFFFFB0];
	[tilespmem:s11+$0x10] =	vst v28  }
0x5a: {  	v20 =	vadd.f32 v20, v22;
	v37 =	vld.idx.msk [tilespmem:v0+s3+$0xFFFFFFF0], $0xffff;
	v21 =	vadd.f32 v27, v21;
	v28 =	vmul.f32 v31, v31  }
0x5b: {  	v16 =	vadd.f32 v12, v13;
	v9 =	vmovc v10;
	v10 =	vmovc v32;
	s11 =	sadd.s32 $0x80, s11;
	v19 =	vadd.f32 v7, v26;
	v7 =	vmov v11;
	v31 =	vld [tilespmem:s3+$0xFFFFFFF0]  }
0x5c: {  	v22 =	vadd.f32 v17, v20;
	v11 =	vmov v33;
	v26 =	vld.idx.msk [tilespmem:v0+s21+$0xFFFFFFD0], $0xffff;
	[tilespmem:s11+$0xFFFFFFC0] =	vst v30;
	v21 =	vadd.f32 v28, v21  }
0x5d: {  	s20 =	sadd.s32 $0x8, s20;
	v12 =	vmovc v29;
	v15 =	vadd.f32 v15, v6;
	v14 =	vadd.f32 v14, v8;
	v6 =	vmov v27;
	v32 =	vld.idx.msk [tilespmem:v0+s6+$0xFFFFFFA0], $0xffff  }
0x5e: {  	p1 =	slt.u32 s20, $0xF8;
	v13 =	vmovc v23;
	v8 =	vmov v28;
	v17 =	vmul.f32 v35, v35;
	v27 =	vld [tilespmem:s6+$0xFFFFFFA0];
	[tilespmem:s11+$0x0] =	vst v34;
	v20 =	vmul.f32 v36, v36  }
.Ltmp2:
0x5f: {  	v28 =	vld.idx.msk [tilespmem:v0+s6+$0xFFFFFFE0], $0xffff;
	[tilespmem:s30+$0xFFFFFFF0] =	vst v15;
	(pc) =	sbr.rel @p1 .LBB2_4-.Ltmp2, $4  }
0x60: {  	v30 =	vmul.f32 v37, v37;
	v29 =	vld [tilespmem:s6+$0xFFFFFFE0];
	v23 =	vadd.f32 v17, v20;
	v17 =	vmul.f32 v31, v31;
	[tilespmem:s30+$0x30] =	vst v14;
	s30 =	smov.u32 s31;
	s31 =	smov.u32 s7;
	s7 =	smov.u32 s11  }
0x61: {  	v15 =	vld.idx.msk [tilespmem:v0+s1+$0xFFFFFFC0], $0xffff  }
0x62: {  	[tilespmem:s31+$0xFFFFFFE0] =	vst v23;
	v30 =	vadd.f32 v30, v17;
	v14 =	vld.idx.msk [tilespmem:v0+s1+$0x0], $0xffff;
	s1 =	smov.u32 s3;
	s3 =	smov.u32 s6  }
0x63: {  	v31 =	vmul.f32 v32, v32;
	s6 =	smov.u32 s21;
	s21 =	sadd.s32 $0x200, s21;
	v23 =	vmul.f32 v27, v27;
	v27 =	vld [tilespmem:s1+$0xFFFFFFC0]  }
0x64: {  	v18 =	vmul.f32 v18, v18;
	v24 =	vmul.f32 v24, v24;
	_ =	sdelay $0x1  }
0x65: {  	v25 =	vmul.f32 v25, v25;
	v26 =	vmul.f32 v26, v26;
	v24 =	vadd.f32 v24, v18  }
0x66: {  	s20 =	sadd.s32 $0x80, s11  }
0x67: {  	v26 =	vadd.f32 v26, v25;
	[tilespmem:s20+$0xFFFFFFC0] =	vst v24  }
0x68: {  	v24 =	vld.idx.msk [tilespmem:v0+s6+$0xFFFFFFA0], $0xffff  }
0x69: {  	[tilespmem:s20+$0x0] =	vst v26;
	v32 =	vld [tilespmem:s6+$0xFFFFFFA0]  }
0x6a: {  	v26 =	vld.idx.msk [tilespmem:v0+s6+$0xFFFFFFE0], $0xffff  }
0x6b: {  	v33 =	vld [tilespmem:s6+$0xFFFFFFE0]  }
0x6c: {  	v28 =	vmul.f32 v28, v28;
	v31 =	vadd.f32 v31, v23;
	v29 =	vmul.f32 v29, v29;
	_ =	sdelay $0x1  }
0x6d: {  	[tilespmem:s11+$0xFFFFFFD0] =	vst v31;
	v28 =	vadd.f32 v28, v29;
	v31 =	vmul.f32 v32, v32;
	v24 =	vmul.f32 v24, v24  }
0x6e: {  	v46 =	vld.idx.msk [tilespmem:v0+s3+$0xFFFFFFB0], $0xffff  }
0x6f: {  	v34 =	vld [tilespmem:s3+$0xFFFFFFB0];
	[tilespmem:s11+$0x10] =	vst v28;
	v28 =	vmul.f32 v33, v33;
	v26 =	vmul.f32 v26, v26;
	v24 =	vadd.f32 v24, v31  }
0x70: {  	v47 =	vld.idx.msk [tilespmem:v0+s3+$0xFFFFFFF0], $0xffff  }
0x71: {  	v35 =	vld [tilespmem:s3+$0xFFFFFFF0];
	[tilespmem:s20+$0xFFFFFFD0] =	vst v24;
	v24 =	vadd.f32 v26, v28  }
0x72: {  	v26 =	vld.idx.msk [tilespmem:v0+s6+$0xFFFFFFB0], $0xffff  }
0x73: {  	v36 =	vld [tilespmem:s6+$0xFFFFFFB0];
	[tilespmem:s20+$0x10] =	vst v24  }
0x74: {  	v32 =	vmul.f32 v46, v46;
	v24 =	vmul.f32 v34, v34;
	v48 =	vld.idx.msk [tilespmem:v0+s6+$0xFFFFFFF0], $0xffff  }
0x75: {  	v37 =	vld [tilespmem:s6+$0xFFFFFFF0]  }
0x76: {  	[tilespmem:s31+$0x20] =	vst v30;
	v49 =	vmul.f32 v35, v35;
	v33 =	vmul.f32 v47, v47;
	v30 =	vadd.f32 v32, v24  }
0x77: {  	v50 =	vld [tilespmem:s1+$0x0]  }
0x78: {  	[tilespmem:s7+$0xFFFFFFE0] =	vst v30;
	v30 =	vadd.f32 v33, v49;
	v51 =	vmul.f32 v36, v36;
	v26 =	vmul.f32 v26, v26  }
0x79: {  	v9 =	vadd.f32 v9, v19;
	v27 =	vmul.f32 v27, v27;
	v19 =	vld [tilespmem:s3+$0xFFFFFFC0]  }
0x7a: {  	[tilespmem:s7+$0x20] =	vst v30;
	v26 =	vadd.f32 v26, v51;
	v30 =	vmul.f32 v37, v37;
	v34 =	vmul.f32 v48, v48  }
0x7b: {  	v13 =	vadd.f32 v13, v16;
	v16 =	vadd.f32 v20, v22;
	v20 =	vld [tilespmem:s3+$0x0]  }
0x7c: {  	v21 =	vadd.f32 v27, v21;
	v22 =	vmul.f32 v50, v50;
	[tilespmem:s20+$0xFFFFFFE0] =	vst v26;
	v26 =	vadd.f32 v34, v30  }
0x7d: {  	v7 =	vadd.f32 v7, v9;
	v9 =	vadd.f32 v12, v13;
	v12 =	vld [tilespmem:s6+$0xFFFFFFC0]  }
0x7e: {  	v13 =	vadd.f32 v17, v16;
	v16 =	vadd.f32 v22, v21;
	v17 =	vmul.f32 v19, v19;
	[tilespmem:s20+$0x20] =	vst v26  }
0x7f: {  	v7 =	vadd.f32 v10, v7;
	v9 =	vadd.f32 v23, v9;
	v10 =	vld [tilespmem:s6+$0x0]  }
0x80: {  	v13 =	vadd.f32 v24, v13;
	v16 =	vadd.f32 v17, v16;
	v19 =	vmul.f32 v20, v20  }
0x81: {  	v7 =	vadd.f32 v11, v7;
	v9 =	vadd.f32 v29, v9  }
0x82: {  	v11 =	vadd.f32 v49, v13;
	v13 =	vadd.f32 v19, v16;
	v12 =	vmul.f32 v12, v12  }
0x83: {  	v7 =	vadd.f32 v18, v7;
	v9 =	vadd.f32 v31, v9  }
0x84: {  	v11 =	vadd.f32 v51, v11;
	v13 =	vadd.f32 v12, v13;
	v10 =	vmul.f32 v10, v10  }
0x85: {  	v7 =	vadd.f32 v25, v7;
	v9 =	vadd.f32 v28, v9  }
0x86: {  	v11 =	vadd.f32 v30, v11;
	v13 =	vadd.f32 v10, v13;
	_ =	sdelay $0x1  }
0x87: {  	v7 =	vadd.f32 v9, v7;
	v9 =	vadd.f32 v13, v11;
	_ =	sdelay $0x1  }
0x88: {  	v7 =	vadd.f32 v9, v7;
	_ =	sdelay $0x1  }
0x89: {  	(xrf2) =	vadd.scan.msk.f32 $0xffff, v7;
	_ =	sdelay $0x9  }
0x8a: {  	v7, _, _ =	vpop (xrf2)  }
0x8b: {  	(v2sf) =	vpush v7, $0xF;
	_ =	sdelay $0xe  }
0x8c: {  	s21 =	spop (v2sf)  }
0x8d: {  	s11 =	smul.f32 $2.441406250e-04, s21;
	_ =	sdelay $0x1  }
0x8e: {  	v7 =	vmov s11  }
0x8f: {  	v9 =	vshra.s32 v7, $0x1;
	v7 =	vmul.f32 $5.000000000e-01, v7  }
0x90: {  	v9 =	vsub.s32 $0x5F3759DF, v9  }
0x91: {  	v11 =	vmul.f32 v9, v7;
	_ =	sdelay $0x1  }
0x92: {  	v11 =	vmul.f32 v9, v11;
	_ =	sdelay $0x1  }
0x93: {  	v11 =	vsub.f32 $1.500000000e+00, v11;
	_ =	sdelay $0x1  }
0x94: {  	v9 =	vmul.f32 v9, v11;
	_ =	sdelay $0x1  }
0x95: {  	v11 =	vmul.f32 v9, v7;
	_ =	sdelay $0x1  }
0x96: {  	v11 =	vmul.f32 v11, v9;
	_ =	sdelay $0x1  }
0x97: {  	v11 =	vsub.f32 $1.500000000e+00, v11;
	_ =	sdelay $0x1  }
0x98: {  	v9 =	vmul.f32 v11, v9;
	_ =	sdelay $0x1  }
0x99: {  	v11 =	vmul.f32 v9, v7;
	_ =	sdelay $0x1  }
0x9a: {  	v11 =	vmul.f32 v11, v9;
	_ =	sdelay $0x1  }
0x9b: {  	v11 =	vsub.f32 $1.500000000e+00, v11;
	_ =	sdelay $0x1  }
0x9c: {  	v9 =	vmul.f32 v11, v9;
	_ =	sdelay $0x1  }
0x9d: {  	v7 =	vmul.f32 v9, v7;
	_ =	sdelay $0x1  }
0x9e: {  	v13 =	vld.idx.msk [tilespmem:v0+s1+$0x0], $0xffff;
	v7 =	vmul.f32 v7, v9  }
0x9f: {  	v11 =	vld.idx.msk [tilespmem:v0+s1+$0xFFFFFFC0], $0xffff  }
0xa0: {  	v7 =	vsub.f32 $1.500000000e+00, v7  }
0xa1: {  	v14 =	vmul.f32 v14, v14;
	v16 =	vld.idx.msk [tilespmem:v0+s3+$0xFFFFFFC0], $0xffff  }
0xa2: {  	v7 =	vmul.f32 v7, v9;
	v9 =	vmul.f32 v15, v15;
	v15 =	vld.idx.msk [tilespmem:v0+s3+$0x0], $0xffff  }
0xa3: {  	v8 =	vadd.f32 v14, v8;
	v18 =	vld.idx.msk [tilespmem:v0+s6+$0xFFFFFFC0], $0xffff;
	v13 =	vmul.f32 v13, v13  }
0xa4: {  	v6 =	vadd.f32 v9, v6;
	v9 =	vmul.f32 v11, v11;
	v11 =	vld.idx.msk [tilespmem:v0+s6+$0x0], $0xffff  }
0xa5: {  	[tilespmem:s30+$0x30] =	vst v8;
	v8 =	vadd.f32 v13, v22  }
0xa6: {  	v14 =	vmul.f32 v16, v16;
	v9 =	vadd.f32 v9, v27  }
0xa7: {  	[tilespmem:s31+$0x30] =	vst v8;
	v13 =	vmul.f32 v15, v15  }
0xa8: {  	[tilespmem:s31+$0xFFFFFFF0] =	vst v9;
	v9 =	vadd.f32 v14, v17;
	v14 =	vmul.f32 v18, v18  }
0xa9: {  	[tilespmem:s30+$0xFFFFFFF0] =	vst v6;
	v8 =	vadd.f32 v13, v19;
	v11 =	vmul.f32 v11, v11  }
0xaa: {  	[tilespmem:s7+$0xFFFFFFF0] =	vst v9;
	v9 =	vadd.f32 v14, v12  }
0xab: {  	[tilespmem:s7+$0x30] =	vst v8;
	v8 =	vadd.f32 v11, v10  }
0xac: {  	[tilespmem:s20+$0xFFFFFFF0] =	vst v9  }
0xad: {  	[tilespmem:s20+$0x30] =	vst v8  }
0xae: {  	v9 =	vld [tilespmem:s28+$0x30]  }
0xaf: {  	v10 =	vld [tilespmem:s28+$0xFFFFFFD0]  }
0xb0: {  	v11 =	vld [tilespmem:s28+$0xFFFFFFE0]  }
0xb1: {  	s30 =	simm.s32 $0x10000;
	v12 =	vld [tilespmem:s28+$0xFFFFFFF0]  }
0xb2: {  	v13 =	vld.idx.msk [tilespmem:v1+s30+$0x70], $0xffff  }
0xb3: {  	v14 =	vld.idx.msk [tilespmem:v2+s30+$0x70], $0xffff  }
0xb4: {  	v17 =	vld [tilespmem:s28+$0x0]  }
0xb5: {  	v18 =	vld.idx.msk [tilespmem:v3+s30+$0x70], $0xffff  }
0xb6: {  	v19 =	vld [tilespmem:s28+$0x10]  }
0xb7: {  	v20 =	vld [tilespmem:s28+$0x20]  }
0xb8: {  	v21 =	vld [tilespmem:s28+$0xFFFFFFC0]  }
0xb9: {  	v7 =	vmul.f32 s11, v7;
	v22 =	vld.idx.msk [tilespmem:v1+s30+$0x0], $0xffff  }
0xba: {  	v25 =	vld.idx.msk [tilespmem:v2+s30+$0x0], $0xffff  }
0xbb: {  	v7 =	vmul.f32 $2.513930560e+00, v7;
	v26 =	vld.idx.msk [tilespmem:v1+s30+$0x10], $0xffff  }
0xbc: {  	v28 =	vld.idx.msk [tilespmem:v2+s30+$0x40], $0xffff  }
0xbd: {  	v6 =	vadd.f32 $9.999999930e-09, v7;
	v29 =	vld.idx.msk [tilespmem:v1+s30+$0x50], $0xffff  }
0xbe: {  	v30 =	vld.idx.msk [tilespmem:v2+s30+$0x50], $0xffff  }
0xbf: {  	v7 =	vmul.f32 $1.333333400e-01, v6;
	v52 =	vld.idx.msk [tilespmem:v2+s30+$0x60], $0xffff  }
0xc0: {  	v8 =	vsub.f32 $0.0e+00, v6;
	v53 =	vld.idx.msk [tilespmem:v3+s30+$0x0], $0xffff  }
0xc1: {  	(erf) = vrcp.f32 v7;
	v54 =	vld.idx.msk [tilespmem:v3+s30+$0x10], $0xffff  }
0xc2: {  	v55 =	vld.idx.msk [tilespmem:v3+s30+$0x20], $0xffff;
	v15 =	vmax.f32 v9, v8;
	v16 =	vmax.f32 v10, v8;
	v10 =	vmul.f32 $6.666667010e-02, v6  }
0xc3: {  	v56 =	vld.idx.msk [tilespmem:v3+s30+$0x30], $0xffff;
	v11 =	vmax.f32 v11, v8;
	v12 =	vmax.f32 v12, v8;
	v13 =	vadd.s32 v4, v13  }
0xc4: {  	v38 =	vld.idx.msk [tilespmem:v3+s30+$0x50], $0xffff;
	v14 =	vadd.s32 v5, v14;
	v17 =	vmax.f32 v17, v8;
	v18 =	vadd.s32 v5, v18  }
0xc5: {  	v39 =	vld.idx.msk [tilespmem:v3+s30+$0x60], $0xffff;
	v19 =	vmax.f32 v19, v8;
	v20 =	vmax.f32 v20, v8;
	v21 =	vmax.f32 v21, v8  }
0xc6: {  	v22 =	vadd.s32 v4, v22;
	v25 =	vadd.s32 v5, v25;
	v26 =	vadd.s32 v4, v26  }
0xc7: {  	v28 =	vadd.s32 v5, v28;
	v29 =	vadd.s32 v4, v29;
	v30 =	vadd.s32 v5, v30  }
0xc8: {  	v32 =	vadd.s32 v5, v52;
	v33 =	vadd.s32 v5, v53;
	v34 =	vadd.s32 v5, v54  }
0xc9: {  	v35 =	vadd.s32 v5, v55;
	v36 =	vadd.s32 v5, v56;
	v38 =	vadd.s32 v5, v38  }
0xca: {  	v39 =	vadd.s32 v5, v39;
	v15 =	vmin.f32 v15, v6;
	v16 =	vmin.f32 v16, v6  }
0xcb: {  	v11 =	vmin.f32 v11, v6;
	v12 =	vmin.f32 v12, v6;
	vm0 =	vgt.s32 v13, v14  }
0xcc: {  	v17 =	vmin.f32 v17, v6;
	v21 =	vmin.f32 v21, v6;
	v19 =	vmin.f32 v19, v6  }
0xcd: {  	v20 =	vmin.f32 v20, v6;
	vm5 =	vgt.s32 v29, v30;
	v9 =	vpop (erf);
	v24 =	vsel vm0, v13, v14  }
0xce: {  	v13 =	vsel vm0, v14, v13;
	v15 =	vmul.f32 v15, v9;
	v16 =	vmul.f32 v16, v9  }
0xcf: {  	v45 =	vsel vm5, v29, v30;
	v11 =	vmul.f32 v11, v9;
	v12 =	vmul.f32 v12, v9  }
0xd0: {  	vm1 =	vlt.s32 v24, v18;
	v21 =	vmul.f32 v21, v9;
	v17 =	vmul.f32 v17, v9  }
0xd1: {  	v19 =	vmul.f32 v19, v9;
	v20 =	vmul.f32 v20, v9;
	vm12 =	vlt.s32 v45, v38  }
0xd2: {  	v14 =	vsel vm1, v24, v18;
	v15 =	vadd.f32 $5.000000000e-01, v15;
	v16 =	vadd.f32 $5.000000000e-01, v16  }
0xd3: {  	vm1 =	vgt.s32 v22, v25;
	v11 =	vadd.f32 $5.000000000e-01, v11;
	v12 =	vadd.f32 $5.000000000e-01, v12  }
0xd4: {  	vm0 =	vgt.s32 v13, v14;
	v21 =	vadd.f32 $5.000000000e-01, v21;
	v17 =	vadd.f32 $5.000000000e-01, v17  }
0xd5: {  	v23 =	vld [tilespmem:s30+$0x70];
	v19 =	vadd.f32 $5.000000000e-01, v19;
	v20 =	vadd.f32 $5.000000000e-01, v20;
	v40 =	vsel vm1, v22, v25  }
0xd6: {  	v25 =	vsel vm1, v25, v22;
	v15 =	vadd.f32 $1.258291200e+07, v15;
	v21 =	vadd.f32 $1.258291200e+07, v21  }
0xd7: {  	v18 =	vld.idx.msk [tilespmem:v2+s30+$0x10], $0xffff;
	v22 =	vsel vm5, v30, v29;
	v16 =	vadd.f32 $1.258291200e+07, v16;
	v11 =	vadd.f32 $1.258291200e+07, v11  }
0xd8: {  	v13 =	vsel vm0, v13, v14;
	v12 =	vadd.f32 $1.258291200e+07, v12;
	v17 =	vadd.f32 $1.258291200e+07, v17  }
0xd9: {  	vm7 =	vlt.s32 v40, v33;
	v19 =	vadd.f32 $1.258291200e+07, v19;
	v20 =	vadd.f32 $1.258291200e+07, v20  }
0xda: {  	v24 =	vld.idx.msk [tilespmem:v1+s30+$0x20], $0xffff;
	vm0 =	vlt.s32 v13, v23;
	v15 =	vadd.f32 $-1.258291200e+07, v15;
	v21 =	vadd.f32 $-1.258291200e+07, v21  }
0xdb: {  	v13 =	vld.idx.msk [tilespmem:v1+s30+$0x30], $0xffff;
	v33 =	vsel vm7, v40, v33;
	v16 =	vadd.f32 $-1.258291200e+07, v16;
	v11 =	vadd.f32 $-1.258291200e+07, v11  }
0xdc: {  	v23 =	vld.idx.msk [tilespmem:v1+s30+$0x40], $0xffff;
	v31 =	vadd.s32 v5, v18;
	v12 =	vadd.f32 $-1.258291200e+07, v12;
	v17 =	vadd.f32 $-1.258291200e+07, v17  }
0xdd: {  	v19 =	vadd.f32 $-1.258291200e+07, v19;
	v15 =	vmul.f32 v15, v7;
	v58 =	vmul.f32 v21, v7  }
0xde: {  	v18 =	vld.idx.msk [tilespmem:v1+s30+$0x60], $0xffff;
	v20 =	vadd.f32 $-1.258291200e+07, v20;
	v16 =	vmul.f32 v16, v7;
	v59 =	vmul.f32 v11, v7  }
0xdf: {  	v24 =	vadd.s32 v4, v24;
	v47 =	vmul.f32 v12, v7;
	v17 =	vmul.f32 v17, v7  }
0xe0: {  	v60 =	vmul.f32 v19, v7;
	v61 =	vmul.f32 v20, v7;
	v20 =	vsel vm12, v45, v38  }
0xe1: {  	v13 =	vadd.s32 v4, v13;
	v23 =	vadd.s32 v4, v23;
	v14 =	vsub.f32 v15, v10  }
0xe2: {  	v15 =	vld.idx.msk [tilespmem:v2+s30+$0x20], $0xffff;
	vm4 =	vgt.s32 v23, v28;
	v30 =	vsub.f32 v58, v10;
	v29 =	vsub.f32 v16, v10  }
0xe3: {  	v57 =	vadd.s32 v4, v18;
	v18 =	vld.idx.msk [tilespmem:v3+s30+$0x40], $0xffff;
	v44 =	vsel vm4, v23, v28;
	v23 =	vsel vm4, v28, v23  }
0xe4: {  	v27 =	vnsel vm0, $0x0, v14;
	v14 =	vld.idx.msk [tilespmem:v2+s30+$0x30], $0xffff;
	vm0 =	vgt.s32 v26, v31;
	vm6 =	vgt.s32 v57, v32  }
0xe5: {  	v28 =	vsub.f32 v59, v10;
	v41 =	vsel vm0, v26, v31;
	v46 =	vsel vm6, v57, v32  }
0xe6: {  	v26 =	vsel vm0, v31, v26;
	v21 =	vsel vm6, v32, v57;
	vm0 =	vgt.s32 v22, v20  }
0xe7: {  	[tilespmem:s29+$0x30] =	vst v27;
	v27 =	vsub.f32 v61, v10;
	vm8 =	vlt.s32 v41, v34;
	v15 =	vadd.s32 v5, v15  }
0xe8: {  	vm13 =	vlt.s32 v46, v39;
	v34 =	vsel vm8, v41, v34;
	vm2 =	vgt.s32 v24, v15  }
0xe9: {  	v18 =	vadd.s32 v5, v18;
	v14 =	vadd.s32 v5, v14;
	v42 =	vsel vm2, v24, v15  }
0xea: {  	v11 =	vld [tilespmem:s30+$0x0];
	vm11 =	vlt.s32 v44, v18;
	v62 =	vsel vm2, v15, v24;
	v24 =	vsub.f32 v60, v10  }
0xeb: {  	v12 =	vld [tilespmem:s30+$0x10];
	vm3 =	vgt.s32 v13, v14;
	vm9 =	vlt.s32 v42, v35;
	v19 =	vsel vm11, v44, v18  }
0xec: {  	v16 =	vld [tilespmem:s30+$0x50];
	v18 =	vsel vm13, v46, v39;
	vm13 =	vgt.s32 v26, v34;
	v43 =	vsel vm3, v13, v14  }
0xed: {  	v15 =	vld [tilespmem:s30+$0x40];
	v35 =	vsel vm9, v42, v35;
	v63 =	vsel vm3, v14, v13;
	vm3 =	vgt.s32 v25, v33  }
0xee: {  	v13 =	vld [tilespmem:s30+$0x20];
	vm1 =	vgt.s32 v23, v19;
	vm2 =	vgt.s32 v21, v18;
	vm10 =	vlt.s32 v43, v36  }
0xef: {  	v14 =	vld [tilespmem:s30+$0x30];
	v32 =	vsel vm13, v26, v34;
	v26 =	vsub.f32 v17, v10;
	v36 =	vsel vm10, v43, v36  }
0xf0: {  	v17 =	vld [tilespmem:s30+$0x60];
	vm14 =	vgt.s32 v62, v35;
	v31 =	vsel vm3, v25, v33;
	vm15 =	vgt.s32 v63, v36  }
0xf1: {  	s1 =	smov.u32 s29;
	s3 =	simm.s32 $0x0;
	s6 =	sadd.s32 $0x200, s28;
	v25 =	vsub.f32 v47, v10;
	v34 =	vsel vm14, v62, v35;
	v33 =	vsel vm15, v63, v36  }
.LBB2_6:
0xf2: {  	v35 =	vld [tilespmem:s6+$0x30];
	s3 =	sadd.s32 $0x8, s3;
	v19 =	vsel vm1, v23, v19;
	v20 =	vsel vm0, v22, v20;
	v18 =	vsel vm2, v21, v18  }
0xf3: {  	vm0 =	vlt.s32 v31, v11;
	vm1 =	vlt.s32 v32, v12;
	vm2 =	vlt.s32 v34, v13;
	v21 =	vld [tilespmem:s6+$0xFFFFFFD0];
	p1 =	slt.u32 s3, $0xF8  }
0xf4: {  	vm3 =	vlt.s32 v33, v14;
	vm4 =	vlt.s32 v19, v15;
	vm5 =	vlt.s32 v20, v16;
	v11 =	vld [tilespmem:s6+$0xFFFFFFE0]  }
0xf5: {  	s30 =	sadd.s32 $0x80, s30;
	v13 =	vnsel vm0, $0x0, v30;
	v14 =	vnsel vm1, $0x0, v29;
	vm0 =	vlt.s32 v18, v17;
	v12 =	vld [tilespmem:s6+$0xFFFFFFF0]  }
0xf6: {  	v16 =	vnsel vm3, $0x0, v25;
	v17 =	vnsel vm4, $0x0, v26;
	v15 =	vld.idx.msk [tilespmem:v1+s30+$0x70], $0xffff;
	[tilespmem:s1+$0xFFFFFFC0] =	vst v13;
	v13 =	vnsel vm2, $0x0, v28  }
0xf7: {  	v20 =	vnsel vm0, $0x0, v27;
	v18 =	vld.idx.msk [tilespmem:v2+s30+$0x70], $0xffff;
	v19 =	vmax.f32 v35, v8;
	[tilespmem:s1+$0xFFFFFFD0] =	vst v14;
	v14 =	vnsel vm5, $0x0, v24  }
0xf8: {  	v21 =	vmax.f32 v21, v8;
	v22 =	vld [tilespmem:s6+$0x0];
	v19 =	vmin.f32 v19, v6;
	[tilespmem:s1+$0xFFFFFFE0] =	vst v13  }
0xf9: {  	v13 =	vmin.f32 v21, v6;
	v11 =	vmax.f32 v11, v8;
	v21 =	vld.idx.msk [tilespmem:v3+s30+$0x70], $0xffff;
	v19 =	vmul.f32 v19, v9  }
0xfa: {  	v13 =	vmul.f32 v13, v9;
	v11 =	vmin.f32 v11, v6;
	v12 =	vmax.f32 v12, v8;
	v23 =	vld [tilespmem:s6+$0x10];
	[tilespmem:s1+$0xFFFFFFF0] =	vst v16  }
0xfb: {  	v11 =	vmul.f32 v11, v9;
	v12 =	vmin.f32 v12, v6;
	v16 =	vld [tilespmem:s6+$0x20];
	v19 =	vadd.f32 $5.000000000e-01, v19;
	[tilespmem:s1+$0x0] =	vst v17  }
0xfc: {  	v17 =	vld [tilespmem:s6+$0xFFFFFFC0];
	v13 =	vadd.f32 $5.000000000e-01, v13;
	v12 =	vmul.f32 v12, v9;
	[tilespmem:s1+$0x10] =	vst v14  }
0xfd: {  	v15 =	vadd.s32 v4, v15;
	v18 =	vadd.s32 v5, v18;
	v14 =	vld.idx.msk [tilespmem:v1+s30+$0x0], $0xffff;
	v19 =	vadd.f32 $1.258291200e+07, v19;
	[tilespmem:s1+$0x20] =	vst v20  }
0xfe: {  	v11 =	vadd.f32 $5.000000000e-01, v11;
	v22 =	vmax.f32 v22, v8;
	vm0 =	vgt.s32 v15, v18;
	v20 =	vld.idx.msk [tilespmem:v2+s30+$0x0], $0xffff  }
0xff: {  	v21 =	vadd.s32 v5, v21;
	v25 =	vsel vm0, v15, v18;
	v24 =	vld [tilespmem:s30+$0x70];
	v19 =	vadd.f32 $-1.258291200e+07, v19  }
0x100: {  	v23 =	vmax.f32 v23, v8;
	vm1 =	vlt.s32 v25, v21;
	v26 =	vld.idx.msk [tilespmem:v1+s30+$0x10], $0xffff;
	v16 =	vmax.f32 v16, v8  }
0x101: {  	v15 =	vsel vm0, v18, v15;
	v18 =	vsel vm1, v25, v21;
	v27 =	vld.idx.msk [tilespmem:v2+s30+$0x10], $0xffff;
	v19 =	vmul.f32 v19, v7  }
0x102: {  	v22 =	vmin.f32 v22, v6;
	v17 =	vmax.f32 v17, v8;
	vm0 =	vgt.s32 v15, v18;
	v21 =	vld.idx.msk [tilespmem:v1+s30+$0x20], $0xffff  }
0x103: {  	v17 =	vmin.f32 v17, v6;
	v15 =	vsel vm0, v15, v18;
	v25 =	vld.idx.msk [tilespmem:v2+s30+$0x20], $0xffff;
	v18 =	vsub.f32 v19, v10  }
0x104: {  	v23 =	vmin.f32 v23, v6;
	v16 =	vmin.f32 v16, v6;
	v19 =	vld.idx.msk [tilespmem:v1+s30+$0x30], $0xffff;
	vm0 =	vlt.s32 v15, v24  }
0x105: {  	s1 =	sadd.s32 $0x200, s1;
	v22 =	vmul.f32 v22, v9;
	v15 =	vmul.f32 v17, v9;
	v17 =	vld.idx.msk [tilespmem:v2+s30+$0x30], $0xffff;
	v18 =	vnsel vm0, $0x0, v18  }
0x106: {  	v12 =	vadd.f32 $5.000000000e-01, v12;
	v23 =	vmul.f32 v23, v9;
	v16 =	vmul.f32 v16, v9;
	v24 =	vld.idx.msk [tilespmem:v1+s30+$0x40], $0xffff;
	[tilespmem:s1+$0x30] =	vst v18  }
0x107: {  	v22 =	vadd.f32 $5.000000000e-01, v22;
	v18 =	vadd.s32 v4, v14;
	v14 =	vadd.f32 $5.000000000e-01, v15;
	v15 =	vld.idx.msk [tilespmem:v2+s30+$0x40], $0xffff  }
0x108: {  	v20 =	vadd.s32 v5, v20;
	v23 =	vadd.f32 $5.000000000e-01, v23;
	v16 =	vadd.f32 $5.000000000e-01, v16;
	v28 =	vld.idx.msk [tilespmem:v1+s30+$0x50], $0xffff  }
0x109: {  	v13 =	vadd.f32 $1.258291200e+07, v13;
	v26 =	vadd.s32 v4, v26;
	v14 =	vadd.f32 $1.258291200e+07, v14;
	v29 =	vld.idx.msk [tilespmem:v2+s30+$0x50], $0xffff  }
0x10a: {  	v11 =	vadd.f32 $1.258291200e+07, v11;
	v12 =	vadd.f32 $1.258291200e+07, v12;
	v27 =	vadd.s32 v5, v27;
	v30 =	vld.idx.msk [tilespmem:v1+s30+$0x60], $0xffff  }
0x10b: {  	v22 =	vadd.f32 $1.258291200e+07, v22;
	v23 =	vadd.f32 $1.258291200e+07, v23;
	v21 =	vadd.s32 v4, v21;
	v31 =	vld.idx.msk [tilespmem:v2+s30+$0x60], $0xffff  }
0x10c: {  	v16 =	vadd.f32 $1.258291200e+07, v16;
	v25 =	vadd.s32 v5, v25;
	v33 =	vadd.s32 v4, v19;
	v32 =	vld.idx.msk [tilespmem:v3+s30+$0x0], $0xffff  }
0x10d: {  	v34 =	vadd.s32 v5, v17;
	v24 =	vadd.s32 v4, v24;
	v35 =	vadd.s32 v5, v15;
	v19 =	vld.idx.msk [tilespmem:v3+s30+$0x10], $0xffff  }
0x10e: {  	vm1 =	vgt.s32 v18, v20;
	vm0 =	vgt.s32 v26, v27;
	v28 =	vadd.s32 v4, v28;
	v15 =	vld.idx.msk [tilespmem:v3+s30+$0x20], $0xffff  }
0x10f: {  	vm2 =	vgt.s32 v21, v25;
	vm3 =	vgt.s32 v33, v34;
	v29 =	vadd.s32 v5, v29;
	v17 =	vld.idx.msk [tilespmem:v3+s30+$0x30], $0xffff  }
0x110: {  	vm4 =	vgt.s32 v24, v35;
	vm5 =	vgt.s32 v28, v29;
	v30 =	vadd.s32 v4, v30;
	v36 =	vld.idx.msk [tilespmem:v3+s30+$0x40], $0xffff  }
0x111: {  	v38 =	vadd.f32 $-1.258291200e+07, v13;
	v37 =	vadd.f32 $-1.258291200e+07, v14;
	v31 =	vadd.s32 v5, v31;
	v39 =	vld.idx.msk [tilespmem:v3+s30+$0x50], $0xffff  }
0x112: {  	v40 =	vadd.f32 $-1.258291200e+07, v11;
	v41 =	vadd.f32 $-1.258291200e+07, v12;
	vm6 =	vgt.s32 v30, v31;
	v42 =	vld.idx.msk [tilespmem:v3+s30+$0x60], $0xffff  }
0x113: {  	v22 =	vadd.f32 $-1.258291200e+07, v22;
	v23 =	vadd.f32 $-1.258291200e+07, v23;
	v43 =	vsel vm1, v18, v20;
	v11 =	vld [tilespmem:s30+$0x0]  }
0x114: {  	v44 =	vsel vm0, v26, v27;
	v46 =	vadd.f32 $-1.258291200e+07, v16;
	v45 =	vsel vm2, v21, v25;
	v12 =	vld [tilespmem:s30+$0x10]  }
0x115: {  	v47 =	vsel vm3, v33, v34;
	v48 =	vsel vm4, v24, v35;
	v49 =	vsel vm5, v28, v29;
	v13 =	vld [tilespmem:s30+$0x20]  }
0x116: {  	v32 =	vadd.s32 v5, v32;
	v19 =	vadd.s32 v5, v19;
	v50 =	vsel vm6, v30, v31;
	v14 =	vld [tilespmem:s30+$0x30]  }
0x117: {  	v51 =	vadd.s32 v5, v15;
	v52 =	vadd.s32 v5, v17;
	v36 =	vadd.s32 v5, v36;
	v15 =	vld [tilespmem:s30+$0x40]  }
0x118: {  	vm7 =	vlt.s32 v43, v32;
	v39 =	vadd.s32 v5, v39;
	v42 =	vadd.s32 v5, v42;
	v16 =	vld [tilespmem:s30+$0x50]  }
0x119: {  	vm8 =	vlt.s32 v44, v19;
	vm9 =	vlt.s32 v45, v51;
	vm10 =	vlt.s32 v47, v52;
	v17 =	vld [tilespmem:s30+$0x60]  }
0x11a: {  	vm11 =	vlt.s32 v48, v36;
	vm12 =	vlt.s32 v49, v39;
	vm13 =	vlt.s32 v50, v42  }
0x11b: {  	v38 =	vmul.f32 v38, v7;
	v37 =	vmul.f32 v37, v7;
	v32 =	vsel vm7, v43, v32  }
0x11c: {  	v40 =	vmul.f32 v40, v7;
	v41 =	vmul.f32 v41, v7;
	v43 =	vsel vm8, v44, v19  }
0x11d: {  	v44 =	vsel vm9, v45, v51;
	v45 =	vmul.f32 v22, v7;
	v51 =	vmul.f32 v23, v7  }
0x11e: {  	v47 =	vsel vm10, v47, v52;
	v19 =	vsel vm11, v48, v36;
	v36 =	vmul.f32 v46, v7  }
0x11f: {  	v46 =	vsel vm1, v20, v18;
	v20 =	vsel vm12, v49, v39;
	v18 =	vsel vm13, v50, v42  }
0x120: {  	v26 =	vsel vm0, v27, v26;
	v27 =	vsel vm2, v25, v21;
	v33 =	vsel vm3, v34, v33  }
0x121: {  	v21 =	vsel vm6, v31, v30;
	v23 =	vsel vm4, v35, v24;
	v22 =	vsel vm5, v29, v28  }
0x122: {  	vm4 =	vgt.s32 v26, v43;
	vm5 =	vgt.s32 v27, v44;
	vm3 =	vgt.s32 v46, v32  }
.Ltmp3:
0x123: {  	vm6 =	vgt.s32 v33, v47;
	vm1 =	vgt.s32 v23, v19;
	vm0 =	vgt.s32 v22, v20;
	(pc) =	sbr.rel @p1 .LBB2_6-.Ltmp3, $4  }
0x124: {  	v30 =	vsub.f32 v37, v10;
	v29 =	vsub.f32 v38, v10;
	vm2 =	vgt.s32 v21, v18  }
0x125: {  	v25 =	vsub.f32 v41, v10;
	v28 =	vsub.f32 v40, v10;
	v31 =	vsel vm3, v46, v32  }
0x126: {  	v24 =	vsub.f32 v51, v10;
	v32 =	vsel vm4, v26, v43;
	v26 =	vsub.f32 v45, v10  }
0x127: {  	s6 =	sadd.s32 $0x200, s6;
	v34 =	vsel vm5, v27, v44;
	v33 =	vsel vm6, v33, v47;
	v27 =	vsub.f32 v36, v10  }
0x128: {  	vm3 =	vlt.s32 v31, v11  }
0x129: {  	vm4 =	vlt.s32 v32, v12;
	v6 =	vnsel vm3, $0x0, v30  }
0x12a: {  	vm11 =	vlt.s32 v34, v13;
	s25 =	sadd.s32 $0x1, s25;
	v7 =	vnsel vm4, $0x0, v29;
	[tilespmem:s1+$0xFFFFFFC0] =	vst v6  }
0x12b: {  	vm12 =	vlt.s32 v33, v14;
	v8 =	vnsel vm11, $0x0, v28;
	p1 =	sne.s32 s25, $0x4;
	v6 =	vsel vm1, v23, v19;
	[tilespmem:s1+$0xFFFFFFD0] =	vst v7  }
.Ltmp4:
0x12c: {  	v7 =	vsel vm0, v22, v20;
	[tilespmem:s1+$0xFFFFFFE0] =	vst v8;
	vm13 =	vlt.s32 v6, v15;
	v6 =	vnsel vm12, $0x0, v25;
	(pc) =	sbr.rel @p1 .LBB2_3-.Ltmp4, $4  }
0x12d: {  	v63 =	vsel vm2, v21, v18;
	vm14 =	vlt.s32 v7, v16;
	v7 =	vnsel vm13, $0x0, v26;
	[tilespmem:s1+$0xFFFFFFF0] =	vst v6  }
0x12e: {  	vm15 =	vlt.s32 v63, v17;
	v6 =	vnsel vm14, $0x0, v24;
	[tilespmem:s1+$0x0] =	vst v7  }
0x12f: {  	v7 =	vnsel vm15, $0x0, v27;
	[tilespmem:s1+$0x10] =	vst v6  }
0x130: {  	s26 =	sadd.s32 $0x80, s26;
	s28 =	sadd.s32 $0x80, s28;
	s29 =	sadd.s32 $0x80, s29;
	[tilespmem:s1+$0x20] =	vst v7  }
0x131: {  	p1 =	sne.s32 s22, $0x1F  }
.Ltmp5:
0x132: {  	_ = 	snop;
	(pc) =	sbr.rel @p1 .LBB2_10-.Ltmp5, $4  }
0x133: {  	_ = 	snop  }
0x134: {  	s1 =	sshll.u32 s24, $0xC  }
0x135: {  	s1 =	sadd.s32 s2, s1  }
0x136: {  	[hbm4b:s1+s12] =	stream.strided.scatter [tilespmem:s16], [sflag:$0x3], $0x4000, s13, s12, $0x38;
	[tilespmem:$0x11000] =	vst v63  }
.Ltmp6:
0x137: {  	(pc) =	sbr.rel .LBB2_11-.Ltmp6, $4  }
0x138: {  	_ = 	snop  }
0x139: {  	_ =	swait.ge [sflag:s17], $0x4000  }
0x13a: {  	[sflag:s17] =	ssyncset.done $0x0  }
0x13b: {  	[sflag:s17] =	ssyncadd.s32 $0xFFFFC000  }
.LBB2_10:
0x13c: {  	s1 =	sadd.s32 s23, s9  }
0x13d: {  	s1 =	sshll.u32 s1, $0x9  }
.Ltmp7:
0x13e: {  	s1 =	sadd.s32 s0, s1;
	(pc) =	sbr.rel @p0 .LBB2_12-.Ltmp7, $4  }
0x13f: {  	[tilespmem:s4], [sflag:$0x1] =	stream.strided.gather [hbm4b:s1+s12], $0x4000, s13, s12, $0x38;
	[tilespmem:$0x11000] =	vst v63  }
0x140: {  	_ =	swait.ge [sflag:s17], $0x4000  }
0x141: {  	[sflag:s17] =	ssyncset.done $0x0  }
0x142: {  	[sflag:s17] =	ssyncadd.s32 $0xFFFFC000  }
.LBB2_11:
0x143: {  	_ =	swait.ge [sflag:s18], $0x4000  }
0x144: {  	[sflag:s18] =	ssyncset.done $0x0  }
0x145: {  	[sflag:s18] =	ssyncadd.s32 $0xFFFFC000  }
.LBB2_12:
0x146: {  	s24 =	simm.s32 $0x0  }
0x147: {  	s25 =	simm.s32 $0x4070;
	s26 =	simm.s32 $0x4040;
	s28 =	simm.s32 $0xC040  }
.LBB2_13:
0x148: {  	_ =	sdelay $0x2  }
0x149: {  	v6 =	vld [tilespmem:s25+$0xFFFFFF90]  }
0x14a: {  	v7 =	vld.idx.msk [tilespmem:v0+s25+$0xFFFFFF90], $0xffff  }
0x14b: {  	v8 =	vld [tilespmem:s25+$0xFFFFFFD0]  }
0x14c: {  	v9 =	vld.idx.msk [tilespmem:v0+s25+$0xFFFFFFD0], $0xffff;
	_ =	sdelay $0x2  }
0x14d: {  	v14 =	vmul.f32 v6, v6;
	v6 =	vmul.f32 v7, v7;
	_ =	sdelay $0x1  }
0x14e: {  	v15 =	vmul.f32 v8, v8;
	v7 =	vmul.f32 v9, v9;
	v6 =	vadd.f32 v6, v14  }
0x14f: {  	s29 =	simm.s32 $0x10040  }
0x150: {  	v7 =	vadd.f32 v7, v15;
	[tilespmem:s29+$0xFFFFFFC0] =	vst v6  }
0x151: {  	v6 =	vld.idx.msk [tilespmem:v0+s25+$0xFFFFFFA0], $0xffff  }
0x152: {  	[tilespmem:s29+$0x0] =	vst v7;
	v8 =	vld [tilespmem:s25+$0xFFFFFFA0]  }
0x153: {  	v7 =	vld.idx.msk [tilespmem:v0+s25+$0xFFFFFFE0], $0xffff  }
0x154: {  	s30 =	sadd.s32 $0x200, s25;
	v9 =	vld [tilespmem:s25+$0xFFFFFFE0]  }
0x155: {  	v10 =	vld [tilespmem:s30+$0xFFFFFF90]  }
0x156: {  	v11 =	vld.idx.msk [tilespmem:v0+s30+$0xFFFFFF90], $0xffff  }
0x157: {  	v12 =	vld [tilespmem:s30+$0xFFFFFFD0];
	v8 =	vmul.f32 v8, v8;
	v6 =	vmul.f32 v6, v6  }
0x158: {  	v13 =	vld.idx.msk [tilespmem:v0+s30+$0xFFFFFFD0], $0xffff  }
0x159: {  	s3 =	sadd.s32 $0x200, s30;
	v16 =	vmul.f32 v9, v9;
	v7 =	vmul.f32 v7, v7;
	v6 =	vadd.f32 v6, v8  }
0x15a: {  	v17 =	vld [tilespmem:s3+$0xFFFFFF90]  }
0x15b: {  	v19 =	vld [tilespmem:s3+$0xFFFFFFD0];
	v9 =	vmul.f32 v10, v10;
	v10 =	vmul.f32 v11, v11;
	[tilespmem:s29+$0xFFFFFFD0] =	vst v6;
	v6 =	vadd.f32 v7, v16  }
0x15c: {  	v11 =	vld.idx.msk [tilespmem:v0+s25+$0xFFFFFFB0], $0xffff  }
0x15d: {  	v10 =	vadd.f32 v10, v9;
	v7 =	vmul.f32 v12, v12;
	v18 =	vld [tilespmem:s25+$0xFFFFFFB0];
	[tilespmem:s29+$0x10] =	vst v6;
	v6 =	vmul.f32 v13, v13  }
0x15e: {  	s1 =	simm.s32 $0x100C0;
	v12 =	vld.idx.msk [tilespmem:v0+s25+$0xFFFFFFF0], $0xffff  }
0x15f: {  	[tilespmem:s1+$0xFFFFFFC0] =	vst v10;
	v13 =	vld [tilespmem:s25+$0xFFFFFFF0];
	v6 =	vadd.f32 v6, v7  }
0x160: {  	v10 =	vld.idx.msk [tilespmem:v0+s30+$0xFFFFFFA0], $0xffff  }
0x161: {  	v20 =	vld [tilespmem:s30+$0xFFFFFFA0];
	[tilespmem:s1+$0x0] =	vst v6  }
0x162: {  	v21 =	vmul.f32 v18, v18;
	v6 =	vmul.f32 v11, v11;
	v11 =	vld.idx.msk [tilespmem:v0+s30+$0xFFFFFFE0], $0xffff  }
0x163: {  	v22 =	vld [tilespmem:s30+$0xFFFFFFE0]  }
0x164: {  	v26 =	vld.idx.msk [tilespmem:v0+s3+$0xFFFFFF90], $0xffff;
	v6 =	vadd.f32 v6, v21;
	v23 =	vmul.f32 v13, v13;
	v12 =	vmul.f32 v12, v12  }
0x165: {  	v27 =	vld.idx.msk [tilespmem:v0+s3+$0xFFFFFFD0], $0xffff;
	s6 =	sadd.s32 $0x200, s3  }
0x166: {  	v25 =	vld [tilespmem:s6+$0xFFFFFFD0];
	v10 =	vmul.f32 v10, v10;
	v13 =	vmul.f32 v20, v20;
	[tilespmem:s29+$0xFFFFFFE0] =	vst v6;
	v6 =	vadd.f32 v12, v23  }
0x167: {  	v24 =	vld.idx.msk [tilespmem:v0+s6+$0xFFFFFF90], $0xffff  }
0x168: {  	v18 =	vld [tilespmem:s6+$0xFFFFFF90];
	[tilespmem:s29+$0x20] =	vst v6;
	v6 =	vadd.f32 v10, v13;
	v12 =	vmul.f32 v22, v22;
	v10 =	vmul.f32 v11, v11  }
0x169: {  	v20 =	vld [tilespmem:s25+$0xFFFFFFC0]  }
0x16a: {  	v22 =	vld [tilespmem:s25+$0x0];
	[tilespmem:s1+$0xFFFFFFD0] =	vst v6;
	v6 =	vadd.f32 v10, v12  }
0x16b: {  	v10 =	vmul.f32 v17, v17;
	v17 =	vmul.f32 v26, v26;
	v28 =	vld.idx.msk [tilespmem:v0+s30+$0xFFFFFFB0], $0xffff  }
0x16c: {  	v11 =	vmul.f32 v19, v19;
	v29 =	vld [tilespmem:s30+$0xFFFFFFB0];
	[tilespmem:s1+$0x10] =	vst v6  }
0x16d: {  	v19 =	vimm.f32 $0.0e+00;
	v6 =	vmul.f32 v27, v27;
	v17 =	vadd.f32 v17, v10;
	v27 =	vld.idx.msk [tilespmem:v0+s30+$0xFFFFFFF0], $0xffff  }
0x16e: {  	s11 =	simm.s32 $0x10140;
	v14 =	vadd.f32 v14, v19;
	v30 =	vld [tilespmem:s30+$0xFFFFFFF0]  }
0x16f: {  	v26 =	vld.idx.msk [tilespmem:v0+s6+$0xFFFFFFD0], $0xffff;
	v31 =	vadd.f32 v6, v11;
	[tilespmem:s11+$0xFFFFFFC0] =	vst v17;
	v6 =	vmul.f32 v20, v20  }
0x170: {  	v21 =	vadd.f32 v21, v19;
	v17 =	vadd.f32 v8, v19;
	v32 =	vld.idx.msk [tilespmem:v0+s3+$0xFFFFFFA0], $0xffff  }
0x171: {  	v33 =	vld [tilespmem:s3+$0xFFFFFFA0];
	[tilespmem:s11+$0x0] =	vst v31;
	v20 =	vmul.f32 v29, v29;
	v31 =	vmul.f32 v28, v28;
	v34 =	vadd.f32 v6, v19  }
0x172: {  	v19 =	vadd.f32 v15, v14;
	v16 =	vadd.f32 v16, v17;
	v28 =	vld.idx.msk [tilespmem:v0+s3+$0xFFFFFFE0], $0xffff  }
0x173: {  	v29 =	vld [tilespmem:s3+$0xFFFFFFE0];
	v14 =	vadd.f32 v31, v20;
	v17 =	vmul.f32 v30, v30;
	v27 =	vmul.f32 v27, v27  }
0x174: {  	v8 =	vmul.f32 v22, v22;
	v15 =	vld.idx.msk [tilespmem:v0+s25+$0xFFFFFFC0], $0xffff  }
0x175: {  	v22 =	vadd.f32 v23, v21;
	[tilespmem:s1+$0xFFFFFFE0] =	vst v14;
	v14 =	vld.idx.msk [tilespmem:v0+s25+$0x0], $0xffff;
	v30 =	vadd.f32 v27, v17  }
0x176: {  	s20 =	simm.s32 $0x18;
	s7 =	simm.s32 $0x10140;
	s21 =	sadd.s32 $0x200, s6;
	v21 =	vadd.f32 v8, v34;
	v23 =	vmul.f32 v33, v33;
	v31 =	vmul.f32 v32, v32;
	v27 =	vld [tilespmem:s30+$0xFFFFFFC0]  }
.LBB2_14:
0x177: {  	v32 =	vmul.f32 v18, v18;
	v18 =	vld [tilespmem:s21+$0xFFFFFF90];
	v33 =	vmul.f32 v25, v25;
	[tilespmem:s1+$0x20] =	vst v30  }
0x178: {  	v28 =	vmul.f32 v28, v28;
	v30 =	vadd.f32 v31, v23;
	v29 =	vmul.f32 v29, v29;
	v31 =	vld [tilespmem:s30+$0x0]  }
0x179: {  	v34 =	vmul.f32 v24, v24;
	v26 =	vmul.f32 v26, v26;
	v25 =	vld [tilespmem:s21+$0xFFFFFFD0]  }
0x17a: {  	v15 =	vmul.f32 v15, v15;
	v24 =	vld.idx.msk [tilespmem:v0+s21+$0xFFFFFF90], $0xffff;
	[tilespmem:s11+$0xFFFFFFD0] =	vst v30;
	v28 =	vadd.f32 v28, v29  }
0x17b: {  	v30 =	vadd.f32 v34, v32;
	v34 =	vadd.f32 v26, v33;
	v35 =	vld.idx.msk [tilespmem:v0+s3+$0xFFFFFFB0], $0xffff;
	v27 =	vmul.f32 v27, v27  }
0x17c: {  	v13 =	vadd.f32 v13, v16;
	v26 =	vadd.f32 v9, v19;
	v14 =	vmul.f32 v14, v14;
	v36 =	vld [tilespmem:s3+$0xFFFFFFB0];
	[tilespmem:s11+$0x10] =	vst v28  }
0x17d: {  	v20 =	vadd.f32 v20, v22;
	v37 =	vld.idx.msk [tilespmem:v0+s3+$0xFFFFFFF0], $0xffff;
	v21 =	vadd.f32 v27, v21;
	v28 =	vmul.f32 v31, v31  }
0x17e: {  	v16 =	vadd.f32 v12, v13;
	v9 =	vmovc v10;
	v10 =	vmovc v32;
	s11 =	sadd.s32 $0x80, s11;
	v19 =	vadd.f32 v7, v26;
	v7 =	vmov v11;
	v31 =	vld [tilespmem:s3+$0xFFFFFFF0]  }
0x17f: {  	v22 =	vadd.f32 v17, v20;
	v11 =	vmov v33;
	v26 =	vld.idx.msk [tilespmem:v0+s21+$0xFFFFFFD0], $0xffff;
	[tilespmem:s11+$0xFFFFFFC0] =	vst v30;
	v21 =	vadd.f32 v28, v21  }
0x180: {  	s20 =	sadd.s32 $0x8, s20;
	v12 =	vmovc v29;
	v15 =	vadd.f32 v15, v6;
	v14 =	vadd.f32 v14, v8;
	v6 =	vmov v27;
	v32 =	vld.idx.msk [tilespmem:v0+s6+$0xFFFFFFA0], $0xffff  }
0x181: {  	p0 =	slt.u32 s20, $0xF8;
	v13 =	vmovc v23;
	v8 =	vmov v28;
	v17 =	vmul.f32 v35, v35;
	v27 =	vld [tilespmem:s6+$0xFFFFFFA0];
	[tilespmem:s11+$0x0] =	vst v34;
	v20 =	vmul.f32 v36, v36  }
.Ltmp8:
0x182: {  	v28 =	vld.idx.msk [tilespmem:v0+s6+$0xFFFFFFE0], $0xffff;
	[tilespmem:s29+$0xFFFFFFF0] =	vst v15;
	(pc) =	sbr.rel @p0 .LBB2_14-.Ltmp8, $4  }
0x183: {  	v30 =	vmul.f32 v37, v37;
	v29 =	vld [tilespmem:s6+$0xFFFFFFE0];
	v23 =	vadd.f32 v17, v20;
	v17 =	vmul.f32 v31, v31;
	[tilespmem:s29+$0x30] =	vst v14;
	s29 =	smov.u32 s1;
	s1 =	smov.u32 s7;
	s7 =	smov.u32 s11  }
0x184: {  	v15 =	vld.idx.msk [tilespmem:v0+s30+$0xFFFFFFC0], $0xffff  }
0x185: {  	[tilespmem:s1+$0xFFFFFFE0] =	vst v23;
	v30 =	vadd.f32 v30, v17;
	v14 =	vld.idx.msk [tilespmem:v0+s30+$0x0], $0xffff;
	s30 =	smov.u32 s3;
	s3 =	smov.u32 s6  }
0x186: {  	v31 =	vmul.f32 v32, v32;
	s6 =	smov.u32 s21;
	s21 =	sadd.s32 $0x200, s21;
	v23 =	vmul.f32 v27, v27;
	v27 =	vld [tilespmem:s30+$0xFFFFFFC0]  }
0x187: {  	v18 =	vmul.f32 v18, v18;
	v24 =	vmul.f32 v24, v24;
	_ =	sdelay $0x1  }
0x188: {  	v25 =	vmul.f32 v25, v25;
	v26 =	vmul.f32 v26, v26;
	v24 =	vadd.f32 v24, v18  }
0x189: {  	s20 =	sadd.s32 $0x80, s11  }
0x18a: {  	v26 =	vadd.f32 v26, v25;
	[tilespmem:s20+$0xFFFFFFC0] =	vst v24  }
0x18b: {  	v24 =	vld.idx.msk [tilespmem:v0+s6+$0xFFFFFFA0], $0xffff  }
0x18c: {  	[tilespmem:s20+$0x0] =	vst v26;
	v32 =	vld [tilespmem:s6+$0xFFFFFFA0]  }
0x18d: {  	v26 =	vld.idx.msk [tilespmem:v0+s6+$0xFFFFFFE0], $0xffff  }
0x18e: {  	v33 =	vld [tilespmem:s6+$0xFFFFFFE0]  }
0x18f: {  	v28 =	vmul.f32 v28, v28;
	v31 =	vadd.f32 v31, v23;
	v29 =	vmul.f32 v29, v29;
	_ =	sdelay $0x1  }
0x190: {  	[tilespmem:s11+$0xFFFFFFD0] =	vst v31;
	v28 =	vadd.f32 v28, v29;
	v31 =	vmul.f32 v32, v32;
	v24 =	vmul.f32 v24, v24  }
0x191: {  	v46 =	vld.idx.msk [tilespmem:v0+s3+$0xFFFFFFB0], $0xffff  }
0x192: {  	v34 =	vld [tilespmem:s3+$0xFFFFFFB0];
	[tilespmem:s11+$0x10] =	vst v28;
	v28 =	vmul.f32 v33, v33;
	v26 =	vmul.f32 v26, v26;
	v24 =	vadd.f32 v24, v31  }
0x193: {  	v47 =	vld.idx.msk [tilespmem:v0+s3+$0xFFFFFFF0], $0xffff  }
0x194: {  	v35 =	vld [tilespmem:s3+$0xFFFFFFF0];
	[tilespmem:s20+$0xFFFFFFD0] =	vst v24;
	v24 =	vadd.f32 v26, v28  }
0x195: {  	v26 =	vld.idx.msk [tilespmem:v0+s6+$0xFFFFFFB0], $0xffff  }
0x196: {  	v36 =	vld [tilespmem:s6+$0xFFFFFFB0];
	[tilespmem:s20+$0x10] =	vst v24  }
0x197: {  	v32 =	vmul.f32 v46, v46;
	v24 =	vmul.f32 v34, v34;
	v48 =	vld.idx.msk [tilespmem:v0+s6+$0xFFFFFFF0], $0xffff  }
0x198: {  	v37 =	vld [tilespmem:s6+$0xFFFFFFF0]  }
0x199: {  	[tilespmem:s1+$0x20] =	vst v30;
	v49 =	vmul.f32 v35, v35;
	v33 =	vmul.f32 v47, v47;
	v30 =	vadd.f32 v32, v24  }
0x19a: {  	v50 =	vld [tilespmem:s30+$0x0]  }
0x19b: {  	[tilespmem:s7+$0xFFFFFFE0] =	vst v30;
	v30 =	vadd.f32 v33, v49;
	v51 =	vmul.f32 v36, v36;
	v26 =	vmul.f32 v26, v26  }
0x19c: {  	v9 =	vadd.f32 v9, v19;
	v27 =	vmul.f32 v27, v27;
	v19 =	vld [tilespmem:s3+$0xFFFFFFC0]  }
0x19d: {  	[tilespmem:s7+$0x20] =	vst v30;
	v26 =	vadd.f32 v26, v51;
	v30 =	vmul.f32 v37, v37;
	v34 =	vmul.f32 v48, v48  }
0x19e: {  	v13 =	vadd.f32 v13, v16;
	v16 =	vadd.f32 v20, v22;
	v20 =	vld [tilespmem:s3+$0x0]  }
0x19f: {  	v21 =	vadd.f32 v27, v21;
	v22 =	vmul.f32 v50, v50;
	[tilespmem:s20+$0xFFFFFFE0] =	vst v26;
	v26 =	vadd.f32 v34, v30  }
0x1a0: {  	v7 =	vadd.f32 v7, v9;
	v9 =	vadd.f32 v12, v13;
	v12 =	vld [tilespmem:s6+$0xFFFFFFC0]  }
0x1a1: {  	v13 =	vadd.f32 v17, v16;
	v16 =	vadd.f32 v22, v21;
	v17 =	vmul.f32 v19, v19;
	[tilespmem:s20+$0x20] =	vst v26  }
0x1a2: {  	v7 =	vadd.f32 v10, v7;
	v9 =	vadd.f32 v23, v9;
	v10 =	vld [tilespmem:s6+$0x0]  }
0x1a3: {  	v13 =	vadd.f32 v24, v13;
	v16 =	vadd.f32 v17, v16;
	v19 =	vmul.f32 v20, v20  }
0x1a4: {  	v7 =	vadd.f32 v11, v7;
	v9 =	vadd.f32 v29, v9  }
0x1a5: {  	v11 =	vadd.f32 v49, v13;
	v13 =	vadd.f32 v19, v16;
	v12 =	vmul.f32 v12, v12  }
0x1a6: {  	v7 =	vadd.f32 v18, v7;
	v9 =	vadd.f32 v31, v9  }
0x1a7: {  	v11 =	vadd.f32 v51, v11;
	v13 =	vadd.f32 v12, v13;
	v10 =	vmul.f32 v10, v10  }
0x1a8: {  	v7 =	vadd.f32 v25, v7;
	v9 =	vadd.f32 v28, v9  }
0x1a9: {  	v11 =	vadd.f32 v30, v11;
	v13 =	vadd.f32 v10, v13;
	_ =	sdelay $0x1  }
0x1aa: {  	v7 =	vadd.f32 v9, v7;
	v9 =	vadd.f32 v13, v11;
	_ =	sdelay $0x1  }
0x1ab: {  	v7 =	vadd.f32 v9, v7;
	_ =	sdelay $0x1  }
0x1ac: {  	(xrf2) =	vadd.scan.msk.f32 $0xffff, v7;
	_ =	sdelay $0x9  }
0x1ad: {  	v7, _, _ =	vpop (xrf2)  }
0x1ae: {  	(v2sf) =	vpush v7, $0xF;
	_ =	sdelay $0xe  }
0x1af: {  	s31 =	spop (v2sf)  }
0x1b0: {  	s11 =	smul.f32 $2.441406250e-04, s31;
	_ =	sdelay $0x1  }
0x1b1: {  	v7 =	vmov s11  }
0x1b2: {  	v9 =	vshra.s32 v7, $0x1;
	v7 =	vmul.f32 $5.000000000e-01, v7  }
0x1b3: {  	v9 =	vsub.s32 $0x5F3759DF, v9  }
0x1b4: {  	v11 =	vmul.f32 v9, v7;
	_ =	sdelay $0x1  }
0x1b5: {  	v11 =	vmul.f32 v9, v11;
	_ =	sdelay $0x1  }
0x1b6: {  	v11 =	vsub.f32 $1.500000000e+00, v11;
	_ =	sdelay $0x1  }
0x1b7: {  	v9 =	vmul.f32 v9, v11;
	_ =	sdelay $0x1  }
0x1b8: {  	v11 =	vmul.f32 v9, v7;
	_ =	sdelay $0x1  }
0x1b9: {  	v11 =	vmul.f32 v11, v9;
	_ =	sdelay $0x1  }
0x1ba: {  	v11 =	vsub.f32 $1.500000000e+00, v11;
	_ =	sdelay $0x1  }
0x1bb: {  	v9 =	vmul.f32 v11, v9;
	_ =	sdelay $0x1  }
0x1bc: {  	v11 =	vmul.f32 v9, v7;
	_ =	sdelay $0x1  }
0x1bd: {  	v11 =	vmul.f32 v11, v9;
	_ =	sdelay $0x1  }
0x1be: {  	v11 =	vsub.f32 $1.500000000e+00, v11;
	_ =	sdelay $0x1  }
0x1bf: {  	v9 =	vmul.f32 v11, v9;
	_ =	sdelay $0x1  }
0x1c0: {  	v7 =	vmul.f32 v9, v7;
	_ =	sdelay $0x1  }
0x1c1: {  	v13 =	vld.idx.msk [tilespmem:v0+s30+$0x0], $0xffff;
	v7 =	vmul.f32 v7, v9  }
0x1c2: {  	v11 =	vld.idx.msk [tilespmem:v0+s30+$0xFFFFFFC0], $0xffff  }
0x1c3: {  	v7 =	vsub.f32 $1.500000000e+00, v7  }
0x1c4: {  	v14 =	vmul.f32 v14, v14;
	v16 =	vld.idx.msk [tilespmem:v0+s3+$0xFFFFFFC0], $0xffff  }
0x1c5: {  	v7 =	vmul.f32 v7, v9;
	v9 =	vmul.f32 v15, v15;
	v15 =	vld.idx.msk [tilespmem:v0+s3+$0x0], $0xffff  }
0x1c6: {  	v8 =	vadd.f32 v14, v8;
	v18 =	vld.idx.msk [tilespmem:v0+s6+$0xFFFFFFC0], $0xffff;
	v13 =	vmul.f32 v13, v13  }
0x1c7: {  	v6 =	vadd.f32 v9, v6;
	v9 =	vmul.f32 v11, v11;
	v11 =	vld.idx.msk [tilespmem:v0+s6+$0x0], $0xffff  }
0x1c8: {  	[tilespmem:s29+$0x30] =	vst v8;
	v8 =	vadd.f32 v13, v22  }
0x1c9: {  	v14 =	vmul.f32 v16, v16;
	v9 =	vadd.f32 v9, v27  }
0x1ca: {  	[tilespmem:s1+$0x30] =	vst v8;
	v13 =	vmul.f32 v15, v15  }
0x1cb: {  	[tilespmem:s1+$0xFFFFFFF0] =	vst v9;
	v9 =	vadd.f32 v14, v17;
	v14 =	vmul.f32 v18, v18  }
0x1cc: {  	[tilespmem:s29+$0xFFFFFFF0] =	vst v6;
	v8 =	vadd.f32 v13, v19;
	v11 =	vmul.f32 v11, v11  }
0x1cd: {  	[tilespmem:s7+$0xFFFFFFF0] =	vst v9;
	v9 =	vadd.f32 v14, v12  }
0x1ce: {  	[tilespmem:s7+$0x30] =	vst v8;
	v8 =	vadd.f32 v11, v10  }
0x1cf: {  	[tilespmem:s20+$0xFFFFFFF0] =	vst v9  }
0x1d0: {  	[tilespmem:s20+$0x30] =	vst v8  }
0x1d1: {  	v9 =	vld [tilespmem:s26+$0x30]  }
0x1d2: {  	v10 =	vld [tilespmem:s26+$0xFFFFFFD0]  }
0x1d3: {  	v11 =	vld [tilespmem:s26+$0xFFFFFFE0]  }
0x1d4: {  	s29 =	simm.s32 $0x10000;
	v12 =	vld [tilespmem:s26+$0xFFFFFFF0]  }
0x1d5: {  	v13 =	vld.idx.msk [tilespmem:v1+s29+$0x70], $0xffff  }
0x1d6: {  	v14 =	vld.idx.msk [tilespmem:v2+s29+$0x70], $0xffff  }
0x1d7: {  	v17 =	vld [tilespmem:s26+$0x0]  }
0x1d8: {  	v18 =	vld.idx.msk [tilespmem:v3+s29+$0x70], $0xffff  }
0x1d9: {  	v19 =	vld [tilespmem:s26+$0x10]  }
0x1da: {  	v20 =	vld [tilespmem:s26+$0x20]  }
0x1db: {  	v21 =	vld [tilespmem:s26+$0xFFFFFFC0]  }
0x1dc: {  	v7 =	vmul.f32 s11, v7;
	v22 =	vld.idx.msk [tilespmem:v1+s29+$0x0], $0xffff  }
0x1dd: {  	v25 =	vld.idx.msk [tilespmem:v2+s29+$0x0], $0xffff  }
0x1de: {  	v7 =	vmul.f32 $2.513930560e+00, v7;
	v26 =	vld.idx.msk [tilespmem:v1+s29+$0x10], $0xffff  }
0x1df: {  	v28 =	vld.idx.msk [tilespmem:v2+s29+$0x40], $0xffff  }
0x1e0: {  	v6 =	vadd.f32 $9.999999930e-09, v7;
	v29 =	vld.idx.msk [tilespmem:v1+s29+$0x50], $0xffff  }
0x1e1: {  	v30 =	vld.idx.msk [tilespmem:v2+s29+$0x50], $0xffff  }
0x1e2: {  	v7 =	vmul.f32 $1.333333400e-01, v6;
	v52 =	vld.idx.msk [tilespmem:v2+s29+$0x60], $0xffff  }
0x1e3: {  	v8 =	vsub.f32 $0.0e+00, v6;
	v53 =	vld.idx.msk [tilespmem:v3+s29+$0x0], $0xffff  }
0x1e4: {  	(erf) = vrcp.f32 v7;
	v54 =	vld.idx.msk [tilespmem:v3+s29+$0x10], $0xffff  }
0x1e5: {  	v55 =	vld.idx.msk [tilespmem:v3+s29+$0x20], $0xffff;
	v15 =	vmax.f32 v9, v8;
	v16 =	vmax.f32 v10, v8;
	v10 =	vmul.f32 $6.666667010e-02, v6  }
0x1e6: {  	v56 =	vld.idx.msk [tilespmem:v3+s29+$0x30], $0xffff;
	v11 =	vmax.f32 v11, v8;
	v12 =	vmax.f32 v12, v8;
	v13 =	vadd.s32 v4, v13  }
0x1e7: {  	v38 =	vld.idx.msk [tilespmem:v3+s29+$0x50], $0xffff;
	v14 =	vadd.s32 v5, v14;
	v17 =	vmax.f32 v17, v8;
	v18 =	vadd.s32 v5, v18  }
0x1e8: {  	v39 =	vld.idx.msk [tilespmem:v3+s29+$0x60], $0xffff;
	v19 =	vmax.f32 v19, v8;
	v20 =	vmax.f32 v20, v8;
	v21 =	vmax.f32 v21, v8  }
0x1e9: {  	v22 =	vadd.s32 v4, v22;
	v25 =	vadd.s32 v5, v25;
	v26 =	vadd.s32 v4, v26  }
0x1ea: {  	v28 =	vadd.s32 v5, v28;
	v29 =	vadd.s32 v4, v29;
	v30 =	vadd.s32 v5, v30  }
0x1eb: {  	v32 =	vadd.s32 v5, v52;
	v33 =	vadd.s32 v5, v53;
	v34 =	vadd.s32 v5, v54  }
0x1ec: {  	v35 =	vadd.s32 v5, v55;
	v36 =	vadd.s32 v5, v56;
	v38 =	vadd.s32 v5, v38  }
0x1ed: {  	v39 =	vadd.s32 v5, v39;
	v15 =	vmin.f32 v15, v6;
	v16 =	vmin.f32 v16, v6  }
0x1ee: {  	v11 =	vmin.f32 v11, v6;
	v12 =	vmin.f32 v12, v6;
	vm0 =	vgt.s32 v13, v14  }
0x1ef: {  	v17 =	vmin.f32 v17, v6;
	v21 =	vmin.f32 v21, v6;
	v19 =	vmin.f32 v19, v6  }
0x1f0: {  	v20 =	vmin.f32 v20, v6;
	vm5 =	vgt.s32 v29, v30;
	v9 =	vpop (erf);
	v24 =	vsel vm0, v13, v14  }
0x1f1: {  	v13 =	vsel vm0, v14, v13;
	v15 =	vmul.f32 v15, v9;
	v16 =	vmul.f32 v16, v9  }
0x1f2: {  	v45 =	vsel vm5, v29, v30;
	v11 =	vmul.f32 v11, v9;
	v12 =	vmul.f32 v12, v9  }
0x1f3: {  	vm1 =	vlt.s32 v24, v18;
	v21 =	vmul.f32 v21, v9;
	v17 =	vmul.f32 v17, v9  }
0x1f4: {  	v19 =	vmul.f32 v19, v9;
	v20 =	vmul.f32 v20, v9;
	vm12 =	vlt.s32 v45, v38  }
0x1f5: {  	v14 =	vsel vm1, v24, v18;
	v15 =	vadd.f32 $5.000000000e-01, v15;
	v16 =	vadd.f32 $5.000000000e-01, v16  }
0x1f6: {  	vm1 =	vgt.s32 v22, v25;
	v11 =	vadd.f32 $5.000000000e-01, v11;
	v12 =	vadd.f32 $5.000000000e-01, v12  }
0x1f7: {  	vm0 =	vgt.s32 v13, v14;
	v21 =	vadd.f32 $5.000000000e-01, v21;
	v17 =	vadd.f32 $5.000000000e-01, v17  }
0x1f8: {  	v23 =	vld [tilespmem:s29+$0x70];
	v19 =	vadd.f32 $5.000000000e-01, v19;
	v20 =	vadd.f32 $5.000000000e-01, v20;
	v40 =	vsel vm1, v22, v25  }
0x1f9: {  	v25 =	vsel vm1, v25, v22;
	v15 =	vadd.f32 $1.258291200e+07, v15;
	v21 =	vadd.f32 $1.258291200e+07, v21  }
0x1fa: {  	v18 =	vld.idx.msk [tilespmem:v2+s29+$0x10], $0xffff;
	v22 =	vsel vm5, v30, v29;
	v16 =	vadd.f32 $1.258291200e+07, v16;
	v11 =	vadd.f32 $1.258291200e+07, v11  }
0x1fb: {  	v13 =	vsel vm0, v13, v14;
	v12 =	vadd.f32 $1.258291200e+07, v12;
	v17 =	vadd.f32 $1.258291200e+07, v17  }
0x1fc: {  	vm7 =	vlt.s32 v40, v33;
	v19 =	vadd.f32 $1.258291200e+07, v19;
	v20 =	vadd.f32 $1.258291200e+07, v20  }
0x1fd: {  	v24 =	vld.idx.msk [tilespmem:v1+s29+$0x20], $0xffff;
	vm0 =	vlt.s32 v13, v23;
	v15 =	vadd.f32 $-1.258291200e+07, v15;
	v21 =	vadd.f32 $-1.258291200e+07, v21  }
0x1fe: {  	v13 =	vld.idx.msk [tilespmem:v1+s29+$0x30], $0xffff;
	v33 =	vsel vm7, v40, v33;
	v16 =	vadd.f32 $-1.258291200e+07, v16;
	v11 =	vadd.f32 $-1.258291200e+07, v11  }
0x1ff: {  	v23 =	vld.idx.msk [tilespmem:v1+s29+$0x40], $0xffff;
	v31 =	vadd.s32 v5, v18;
	v12 =	vadd.f32 $-1.258291200e+07, v12;
	v17 =	vadd.f32 $-1.258291200e+07, v17  }
0x200: {  	v19 =	vadd.f32 $-1.258291200e+07, v19;
	v15 =	vmul.f32 v15, v7;
	v58 =	vmul.f32 v21, v7  }
0x201: {  	v18 =	vld.idx.msk [tilespmem:v1+s29+$0x60], $0xffff;
	v20 =	vadd.f32 $-1.258291200e+07, v20;
	v16 =	vmul.f32 v16, v7;
	v59 =	vmul.f32 v11, v7  }
0x202: {  	v24 =	vadd.s32 v4, v24;
	v47 =	vmul.f32 v12, v7;
	v17 =	vmul.f32 v17, v7  }
0x203: {  	v60 =	vmul.f32 v19, v7;
	v61 =	vmul.f32 v20, v7;
	v20 =	vsel vm12, v45, v38  }
0x204: {  	v13 =	vadd.s32 v4, v13;
	v23 =	vadd.s32 v4, v23;
	v14 =	vsub.f32 v15, v10  }
0x205: {  	v15 =	vld.idx.msk [tilespmem:v2+s29+$0x20], $0xffff;
	vm4 =	vgt.s32 v23, v28;
	v30 =	vsub.f32 v58, v10;
	v29 =	vsub.f32 v16, v10  }
0x206: {  	v57 =	vadd.s32 v4, v18;
	v18 =	vld.idx.msk [tilespmem:v3+s29+$0x40], $0xffff;
	v44 =	vsel vm4, v23, v28;
	v23 =	vsel vm4, v28, v23  }
0x207: {  	v27 =	vnsel vm0, $0x0, v14;
	v14 =	vld.idx.msk [tilespmem:v2+s29+$0x30], $0xffff;
	vm0 =	vgt.s32 v26, v31;
	vm6 =	vgt.s32 v57, v32  }
0x208: {  	v28 =	vsub.f32 v59, v10;
	v41 =	vsel vm0, v26, v31;
	v46 =	vsel vm6, v57, v32  }
0x209: {  	v26 =	vsel vm0, v31, v26;
	v21 =	vsel vm6, v32, v57;
	vm0 =	vgt.s32 v22, v20  }
0x20a: {  	[tilespmem:s28+$0x30] =	vst v27;
	v27 =	vsub.f32 v61, v10;
	vm8 =	vlt.s32 v41, v34;
	v15 =	vadd.s32 v5, v15  }
0x20b: {  	vm13 =	vlt.s32 v46, v39;
	v34 =	vsel vm8, v41, v34;
	vm2 =	vgt.s32 v24, v15  }
0x20c: {  	v18 =	vadd.s32 v5, v18;
	v14 =	vadd.s32 v5, v14;
	v42 =	vsel vm2, v24, v15  }
0x20d: {  	v11 =	vld [tilespmem:s29+$0x0];
	vm11 =	vlt.s32 v44, v18;
	v62 =	vsel vm2, v15, v24;
	v24 =	vsub.f32 v60, v10  }
0x20e: {  	v12 =	vld [tilespmem:s29+$0x10];
	vm3 =	vgt.s32 v13, v14;
	vm9 =	vlt.s32 v42, v35;
	v19 =	vsel vm11, v44, v18  }
0x20f: {  	v16 =	vld [tilespmem:s29+$0x50];
	v18 =	vsel vm13, v46, v39;
	vm13 =	vgt.s32 v26, v34;
	v43 =	vsel vm3, v13, v14  }
0x210: {  	v15 =	vld [tilespmem:s29+$0x40];
	v35 =	vsel vm9, v42, v35;
	v63 =	vsel vm3, v14, v13;
	vm3 =	vgt.s32 v25, v33  }
0x211: {  	v13 =	vld [tilespmem:s29+$0x20];
	vm1 =	vgt.s32 v23, v19;
	vm2 =	vgt.s32 v21, v18;
	vm10 =	vlt.s32 v43, v36  }
0x212: {  	v14 =	vld [tilespmem:s29+$0x30];
	v32 =	vsel vm13, v26, v34;
	v26 =	vsub.f32 v17, v10;
	v36 =	vsel vm10, v43, v36  }
0x213: {  	v17 =	vld [tilespmem:s29+$0x60];
	vm14 =	vgt.s32 v62, v35;
	v31 =	vsel vm3, v25, v33;
	vm15 =	vgt.s32 v63, v36  }
0x214: {  	s3 =	simm.s32 $0x0;
	s6 =	sadd.s32 $0x200, s26;
	s1 =	smov.u32 s28;
	v25 =	vsub.f32 v47, v10;
	v34 =	vsel vm14, v62, v35;
	v33 =	vsel vm15, v63, v36  }
.LBB2_16:
0x215: {  	v35 =	vld [tilespmem:s6+$0x30];
	s3 =	sadd.s32 $0x8, s3;
	v19 =	vsel vm1, v23, v19;
	v20 =	vsel vm0, v22, v20;
	v18 =	vsel vm2, v21, v18  }
0x216: {  	vm0 =	vlt.s32 v31, v11;
	vm1 =	vlt.s32 v32, v12;
	vm2 =	vlt.s32 v34, v13;
	v21 =	vld [tilespmem:s6+$0xFFFFFFD0];
	p0 =	slt.u32 s3, $0xF8  }
0x217: {  	vm3 =	vlt.s32 v33, v14;
	vm4 =	vlt.s32 v19, v15;
	vm5 =	vlt.s32 v20, v16;
	v11 =	vld [tilespmem:s6+$0xFFFFFFE0]  }
0x218: {  	s29 =	sadd.s32 $0x80, s29;
	v13 =	vnsel vm0, $0x0, v30;
	v14 =	vnsel vm1, $0x0, v29;
	vm0 =	vlt.s32 v18, v17;
	v12 =	vld [tilespmem:s6+$0xFFFFFFF0]  }
0x219: {  	v16 =	vnsel vm3, $0x0, v25;
	v17 =	vnsel vm4, $0x0, v26;
	v15 =	vld.idx.msk [tilespmem:v1+s29+$0x70], $0xffff;
	[tilespmem:s1+$0xFFFFFFC0] =	vst v13;
	v13 =	vnsel vm2, $0x0, v28  }
0x21a: {  	v20 =	vnsel vm0, $0x0, v27;
	v18 =	vld.idx.msk [tilespmem:v2+s29+$0x70], $0xffff;
	v19 =	vmax.f32 v35, v8;
	[tilespmem:s1+$0xFFFFFFD0] =	vst v14;
	v14 =	vnsel vm5, $0x0, v24  }
0x21b: {  	v21 =	vmax.f32 v21, v8;
	v22 =	vld [tilespmem:s6+$0x0];
	v19 =	vmin.f32 v19, v6;
	[tilespmem:s1+$0xFFFFFFE0] =	vst v13  }
0x21c: {  	v13 =	vmin.f32 v21, v6;
	v11 =	vmax.f32 v11, v8;
	v21 =	vld.idx.msk [tilespmem:v3+s29+$0x70], $0xffff;
	v19 =	vmul.f32 v19, v9  }
0x21d: {  	v13 =	vmul.f32 v13, v9;
	v11 =	vmin.f32 v11, v6;
	v12 =	vmax.f32 v12, v8;
	v23 =	vld [tilespmem:s6+$0x10];
	[tilespmem:s1+$0xFFFFFFF0] =	vst v16  }
0x21e: {  	v11 =	vmul.f32 v11, v9;
	v12 =	vmin.f32 v12, v6;
	v16 =	vld [tilespmem:s6+$0x20];
	v19 =	vadd.f32 $5.000000000e-01, v19;
	[tilespmem:s1+$0x0] =	vst v17  }
0x21f: {  	v17 =	vld [tilespmem:s6+$0xFFFFFFC0];
	v13 =	vadd.f32 $5.000000000e-01, v13;
	v12 =	vmul.f32 v12, v9;
	[tilespmem:s1+$0x10] =	vst v14  }
0x220: {  	v15 =	vadd.s32 v4, v15;
	v18 =	vadd.s32 v5, v18;
	v14 =	vld.idx.msk [tilespmem:v1+s29+$0x0], $0xffff;
	v19 =	vadd.f32 $1.258291200e+07, v19;
	[tilespmem:s1+$0x20] =	vst v20  }
0x221: {  	v11 =	vadd.f32 $5.000000000e-01, v11;
	v22 =	vmax.f32 v22, v8;
	vm0 =	vgt.s32 v15, v18;
	v20 =	vld.idx.msk [tilespmem:v2+s29+$0x0], $0xffff  }
0x222: {  	v21 =	vadd.s32 v5, v21;
	v25 =	vsel vm0, v15, v18;
	v24 =	vld [tilespmem:s29+$0x70];
	v19 =	vadd.f32 $-1.258291200e+07, v19  }
0x223: {  	v23 =	vmax.f32 v23, v8;
	vm1 =	vlt.s32 v25, v21;
	v26 =	vld.idx.msk [tilespmem:v1+s29+$0x10], $0xffff;
	v16 =	vmax.f32 v16, v8  }
0x224: {  	v15 =	vsel vm0, v18, v15;
	v18 =	vsel vm1, v25, v21;
	v27 =	vld.idx.msk [tilespmem:v2+s29+$0x10], $0xffff;
	v19 =	vmul.f32 v19, v7  }
0x225: {  	v22 =	vmin.f32 v22, v6;
	v17 =	vmax.f32 v17, v8;
	vm0 =	vgt.s32 v15, v18;
	v21 =	vld.idx.msk [tilespmem:v1+s29+$0x20], $0xffff  }
0x226: {  	v17 =	vmin.f32 v17, v6;
	v15 =	vsel vm0, v15, v18;
	v25 =	vld.idx.msk [tilespmem:v2+s29+$0x20], $0xffff;
	v18 =	vsub.f32 v19, v10  }
0x227: {  	v23 =	vmin.f32 v23, v6;
	v16 =	vmin.f32 v16, v6;
	v19 =	vld.idx.msk [tilespmem:v1+s29+$0x30], $0xffff;
	vm0 =	vlt.s32 v15, v24  }
0x228: {  	s1 =	sadd.s32 $0x200, s1;
	v22 =	vmul.f32 v22, v9;
	v15 =	vmul.f32 v17, v9;
	v17 =	vld.idx.msk [tilespmem:v2+s29+$0x30], $0xffff;
	v18 =	vnsel vm0, $0x0, v18  }
0x229: {  	v12 =	vadd.f32 $5.000000000e-01, v12;
	v23 =	vmul.f32 v23, v9;
	v16 =	vmul.f32 v16, v9;
	v24 =	vld.idx.msk [tilespmem:v1+s29+$0x40], $0xffff;
	[tilespmem:s1+$0x30] =	vst v18  }
0x22a: {  	v22 =	vadd.f32 $5.000000000e-01, v22;
	v18 =	vadd.s32 v4, v14;
	v14 =	vadd.f32 $5.000000000e-01, v15;
	v15 =	vld.idx.msk [tilespmem:v2+s29+$0x40], $0xffff  }
0x22b: {  	v20 =	vadd.s32 v5, v20;
	v23 =	vadd.f32 $5.000000000e-01, v23;
	v16 =	vadd.f32 $5.000000000e-01, v16;
	v28 =	vld.idx.msk [tilespmem:v1+s29+$0x50], $0xffff  }
0x22c: {  	v13 =	vadd.f32 $1.258291200e+07, v13;
	v26 =	vadd.s32 v4, v26;
	v14 =	vadd.f32 $1.258291200e+07, v14;
	v29 =	vld.idx.msk [tilespmem:v2+s29+$0x50], $0xffff  }
0x22d: {  	v11 =	vadd.f32 $1.258291200e+07, v11;
	v12 =	vadd.f32 $1.258291200e+07, v12;
	v27 =	vadd.s32 v5, v27;
	v30 =	vld.idx.msk [tilespmem:v1+s29+$0x60], $0xffff  }
0x22e: {  	v22 =	vadd.f32 $1.258291200e+07, v22;
	v23 =	vadd.f32 $1.258291200e+07, v23;
	v21 =	vadd.s32 v4, v21;
	v31 =	vld.idx.msk [tilespmem:v2+s29+$0x60], $0xffff  }
0x22f: {  	v16 =	vadd.f32 $1.258291200e+07, v16;
	v25 =	vadd.s32 v5, v25;
	v33 =	vadd.s32 v4, v19;
	v32 =	vld.idx.msk [tilespmem:v3+s29+$0x0], $0xffff  }
0x230: {  	v34 =	vadd.s32 v5, v17;
	v24 =	vadd.s32 v4, v24;
	v35 =	vadd.s32 v5, v15;
	v19 =	vld.idx.msk [tilespmem:v3+s29+$0x10], $0xffff  }
0x231: {  	vm1 =	vgt.s32 v18, v20;
	vm0 =	vgt.s32 v26, v27;
	v28 =	vadd.s32 v4, v28;
	v15 =	vld.idx.msk [tilespmem:v3+s29+$0x20], $0xffff  }
0x232: {  	vm2 =	vgt.s32 v21, v25;
	vm3 =	vgt.s32 v33, v34;
	v29 =	vadd.s32 v5, v29;
	v17 =	vld.idx.msk [tilespmem:v3+s29+$0x30], $0xffff  }
0x233: {  	vm4 =	vgt.s32 v24, v35;
	vm5 =	vgt.s32 v28, v29;
	v30 =	vadd.s32 v4, v30;
	v36 =	vld.idx.msk [tilespmem:v3+s29+$0x40], $0xffff  }
0x234: {  	v38 =	vadd.f32 $-1.258291200e+07, v13;
	v37 =	vadd.f32 $-1.258291200e+07, v14;
	v31 =	vadd.s32 v5, v31;
	v39 =	vld.idx.msk [tilespmem:v3+s29+$0x50], $0xffff  }
0x235: {  	v40 =	vadd.f32 $-1.258291200e+07, v11;
	v41 =	vadd.f32 $-1.258291200e+07, v12;
	vm6 =	vgt.s32 v30, v31;
	v42 =	vld.idx.msk [tilespmem:v3+s29+$0x60], $0xffff  }
0x236: {  	v22 =	vadd.f32 $-1.258291200e+07, v22;
	v23 =	vadd.f32 $-1.258291200e+07, v23;
	v43 =	vsel vm1, v18, v20;
	v11 =	vld [tilespmem:s29+$0x0]  }
0x237: {  	v44 =	vsel vm0, v26, v27;
	v46 =	vadd.f32 $-1.258291200e+07, v16;
	v45 =	vsel vm2, v21, v25;
	v12 =	vld [tilespmem:s29+$0x10]  }
0x238: {  	v47 =	vsel vm3, v33, v34;
	v48 =	vsel vm4, v24, v35;
	v49 =	vsel vm5, v28, v29;
	v13 =	vld [tilespmem:s29+$0x20]  }
0x239: {  	v32 =	vadd.s32 v5, v32;
	v19 =	vadd.s32 v5, v19;
	v50 =	vsel vm6, v30, v31;
	v14 =	vld [tilespmem:s29+$0x30]  }
0x23a: {  	v51 =	vadd.s32 v5, v15;
	v52 =	vadd.s32 v5, v17;
	v36 =	vadd.s32 v5, v36;
	v15 =	vld [tilespmem:s29+$0x40]  }
0x23b: {  	vm7 =	vlt.s32 v43, v32;
	v39 =	vadd.s32 v5, v39;
	v42 =	vadd.s32 v5, v42;
	v16 =	vld [tilespmem:s29+$0x50]  }
0x23c: {  	vm8 =	vlt.s32 v44, v19;
	vm9 =	vlt.s32 v45, v51;
	vm10 =	vlt.s32 v47, v52;
	v17 =	vld [tilespmem:s29+$0x60]  }
0x23d: {  	vm11 =	vlt.s32 v48, v36;
	vm12 =	vlt.s32 v49, v39;
	vm13 =	vlt.s32 v50, v42  }
0x23e: {  	v38 =	vmul.f32 v38, v7;
	v37 =	vmul.f32 v37, v7;
	v32 =	vsel vm7, v43, v32  }
0x23f: {  	v40 =	vmul.f32 v40, v7;
	v41 =	vmul.f32 v41, v7;
	v43 =	vsel vm8, v44, v19  }
0x240: {  	v44 =	vsel vm9, v45, v51;
	v45 =	vmul.f32 v22, v7;
	v51 =	vmul.f32 v23, v7  }
0x241: {  	v47 =	vsel vm10, v47, v52;
	v19 =	vsel vm11, v48, v36;
	v36 =	vmul.f32 v46, v7  }
0x242: {  	v46 =	vsel vm1, v20, v18;
	v20 =	vsel vm12, v49, v39;
	v18 =	vsel vm13, v50, v42  }
0x243: {  	v26 =	vsel vm0, v27, v26;
	v27 =	vsel vm2, v25, v21;
	v33 =	vsel vm3, v34, v33  }
0x244: {  	v21 =	vsel vm6, v31, v30;
	v23 =	vsel vm4, v35, v24;
	v22 =	vsel vm5, v29, v28  }
0x245: {  	vm4 =	vgt.s32 v26, v43;
	vm5 =	vgt.s32 v27, v44;
	vm3 =	vgt.s32 v46, v32  }
.Ltmp9:
0x246: {  	vm6 =	vgt.s32 v33, v47;
	vm1 =	vgt.s32 v23, v19;
	vm0 =	vgt.s32 v22, v20;
	(pc) =	sbr.rel @p0 .LBB2_16-.Ltmp9, $4  }
0x247: {  	v30 =	vsub.f32 v37, v10;
	v29 =	vsub.f32 v38, v10;
	vm2 =	vgt.s32 v21, v18  }
0x248: {  	v25 =	vsub.f32 v41, v10;
	v28 =	vsub.f32 v40, v10;
	v31 =	vsel vm3, v46, v32  }
0x249: {  	v24 =	vsub.f32 v51, v10;
	v32 =	vsel vm4, v26, v43;
	v26 =	vsub.f32 v45, v10  }
0x24a: {  	s6 =	sadd.s32 $0x200, s6;
	v34 =	vsel vm5, v27, v44;
	v33 =	vsel vm6, v33, v47;
	v27 =	vsub.f32 v36, v10  }
0x24b: {  	vm3 =	vlt.s32 v31, v11  }
0x24c: {  	vm4 =	vlt.s32 v32, v12;
	v6 =	vnsel vm3, $0x0, v30  }
0x24d: {  	vm11 =	vlt.s32 v34, v13;
	s24 =	sadd.s32 $0x1, s24;
	v7 =	vnsel vm4, $0x0, v29;
	[tilespmem:s1+$0xFFFFFFC0] =	vst v6  }
0x24e: {  	vm12 =	vlt.s32 v33, v14;
	v8 =	vnsel vm11, $0x0, v28;
	p0 =	sne.s32 s24, $0x4;
	v6 =	vsel vm1, v23, v19;
	[tilespmem:s1+$0xFFFFFFD0] =	vst v7  }
.Ltmp10:
0x24f: {  	v7 =	vsel vm0, v22, v20;
	[tilespmem:s1+$0xFFFFFFE0] =	vst v8;
	vm13 =	vlt.s32 v6, v15;
	v6 =	vnsel vm12, $0x0, v25;
	(pc) =	sbr.rel @p0 .LBB2_13-.Ltmp10, $4  }
0x250: {  	v63 =	vsel vm2, v21, v18;
	vm14 =	vlt.s32 v7, v16;
	v7 =	vnsel vm13, $0x0, v26;
	[tilespmem:s1+$0xFFFFFFF0] =	vst v6  }
0x251: {  	vm15 =	vlt.s32 v63, v17;
	v6 =	vnsel vm14, $0x0, v24;
	[tilespmem:s1+$0x0] =	vst v7  }
0x252: {  	v7 =	vnsel vm15, $0x0, v27;
	[tilespmem:s1+$0x10] =	vst v6  }
0x253: {  	s25 =	sadd.s32 $0x80, s25;
	s26 =	sadd.s32 $0x80, s26;
	s28 =	sadd.s32 $0x80, s28;
	[tilespmem:s1+$0x20] =	vst v7  }
0x254: {  	p0 =	seq.s32 s22, $0x1F  }
.Ltmp11:
0x255: {  	_ = 	snop;
	(pc) =	sbr.rel @p0 .LBB2_20-.Ltmp11, $4  }
0x256: {  	_ = 	snop  }
0x257: {  	s1 =	sshll.u32 s22, $0xC  }
0x258: {  	s1 =	sadd.s32 s1, s10  }
0x259: {  	[hbm4b:s1+s12] =	stream.strided.scatter [tilespmem:s19], [sflag:$0x4], $0x4000, s13, s12, $0x38;
	[tilespmem:$0x11000] =	vst v63  }
.Ltmp12:
0x25a: {  	s1 =	sadd.s32 s23, s9;
	(pc) =	sbr.rel .LBB2_2-.Ltmp12, $4  }
0x25b: {  	s1 =	sshll.u32 s1, $0x9  }
0x25c: {  	s1 =	sand.u32 $0x7FF000, s1  }
0x25d: {  	s22 =	sadd.s32 $0x1, s22;
	s1 =	sadd.s32 s1, s5  }
0x25e: {  	[tilespmem:s14], [sflag:$0x2] =	stream.strided.gather [hbm4b:s1+s12], $0x4000, s13, s12, $0x38;
	[tilespmem:$0x11000] =	vst v63  }
.LBB2_21:
0x25f: {  	_ =	sfence.sel $0x180000  }
0x260: {  	[bflag:$0x0] =	sbarrier.arrive $0xFFFF  }
0x261: {  	_ =	strace $0x90000047  }
0x262: {  	s0 =	stileid.u32;
	[bflag:$0x2] =	sbarrier.arrive $0xFFFF  }
0x263: {  	p0 =	sne.s32 s0, $0x0;
	s0 =	rddreg [dreg:$0x2]  }
0x264: {  	s0 =	sadd.s32 @!p0 $0x100000, s0  }
0x265: {  	[sflag:s0] =	ssyncadd.tile.s32 @!p0 $0x1;
	_ =	shalt  }
.Lfunc_end2:
_tile_overlayer_lowered:
.L_overlay_start_2:
0x266: {  	(tag) =	ssettag $0x2  }
0x267: {  	s0 =	rddreg [dreg:$0x0];
	s2 =	stileid.u32  }
0x268: {  	s1 =	rddreg [dreg:$0x1];
	p0 =	sne.s32 s2, $0x0  }
0x269: {  	s3 =	rddreg [dreg:$0x2];
	[bflag:$0x3] =	sbarrier.arrive $0xFFFF;
	s2 =	simm.s32 @!p0 $0x1C05  }
0x26a: {  	[timem:s3], [sflag:s2] =	dma.local @!p0 [hbm:s0], s1  }
0x26b: {  	s0 =	simm.s32 @!p0 $0x5  }
0x26c: {  	_ =	swait.ge @!p0 [sflag:s0], s1  }
0x26d: {  	s1 =	ssub.s32 @!p0 $0x0, s1;
	[sflag:s0] =	ssyncset.done @!p0 $0x0  }
0x26e: {  	[sflag:s0] =	ssyncadd.s32 @!p0 s1  }
0x26f: {  	[bflag:$0x3] =	sbarrier.arrive $0xFFFF  }
0x270: {  	_ =	shalt  }

</sc_bundles>
